<compile_context>
chip_gen: v7x
topology: tpu7x:2x2x1
jax: 0.10.2.dev20260603
libtpu: 0.0.44.dev20260713+nightly
codegen_flags: <defaults>
</compile_context>

<pallas_src>
import functools

import jax
import jax.numpy as jnp
from jax import lax
from jax.experimental import pallas as pl
from jax.experimental.pallas import tpu as pltpu
from jax.experimental.pallas import tpu_sc as plsc

HIDDEN = 64
PAIR = 64
T2_BLK = 8192
UNP_BLK = 4096
N_TABLE = 1000000


def _unpack_body(x_ref, o_ref):
    x = x_ref[...]
    o_ref[0] = x[:, :HIDDEN]
    o_ref[1] = x[:, HIDDEN:]


def _t2_body(t_ref, w_ref, b_ref, o_ref):
    x = jnp.maximum(t_ref[...], 0.0)
    y = lax.dot_general(
        x.T, w_ref[...], (((1,), (1,)), ((), ())),
        preferred_element_type=jnp.float32) + b_ref[...]
    o_ref[:, :HIDDEN] = y


def _make_gather(B, n_workers, b_per_w, n_chunks):
    mesh = plsc.VectorSubcoreMesh(core_axis_name="c", subcore_axis_name="s")
    n_pairs = n_chunks // 2
    pairs_per_w = b_per_w // 2

    @functools.partial(
        pl.kernel,
        mesh=mesh,
        out_type=jax.ShapeDtypeStruct((B // 2, 2 * HIDDEN), jnp.float32),
        scratch_types=[
            pltpu.VMEM((n_chunks, 2 * PAIR), jnp.int32),
            pltpu.VMEM((2, 2, PAIR, 2 * HIDDEN), jnp.float32),
            pltpu.SemaphoreType.DMA,
            pltpu.SemaphoreType.DMA,
        ],
        compiler_params=pltpu.CompilerParams(use_tc_tiling_on_sc=False),
    )
    def gather_k(idx_hbm, table2_hbm, out_hbm, idx_v, rows_v, sem0, sem1):
        nc = lax.axis_size("c")
        wid = lax.axis_index("s") * nc + lax.axis_index("c")
        pair_base = wid * pairs_per_w

        pltpu.sync_copy(idx_hbm.at[wid], idx_v)

        def copies(c, buf, sem):
            for g in range(2):
                src = table2_hbm.at[idx_v.at[c, pl.ds(PAIR * g, PAIR)]]
                dst = rows_v.at[buf, g]
                yield src, dst, sem

        def start(c, buf, sem):
            for src, dst, s in copies(c, buf, sem):
                pltpu.async_copy(src, dst, s)

        def wait(c, buf, sem):
            for src, dst, s in copies(c, buf, sem):
                pltpu.make_async_copy(src, dst, s).wait()

        def store(c, buf):
            for g in range(2):
                pltpu.sync_copy(
                    rows_v.at[buf, g, :, pl.ds(0, HIDDEN)],
                    out_hbm.at[pl.ds(pair_base + c * PAIR, PAIR),
                               pl.ds(HIDDEN * g, HIDDEN)])

        start(0, 0, sem0)

        def body(i, carry):
            c0 = 2 * i
            start(c0 + 1, 1, sem1)
            wait(c0, 0, sem0)
            store(c0, 0)
            start(c0 + 2, 0, sem0)
            wait(c0 + 1, 1, sem1)
            store(c0 + 1, 1)
            return carry

        lax.fori_loop(0, n_pairs - 1, body, 0)

        c0 = n_chunks - 2
        start(c0 + 1, 1, sem1)
        wait(c0, 0, sem0)
        store(c0, 0)
        wait(c0 + 1, 1, sem1)
        store(c0 + 1, 1)

    return gather_k


def kernel(inputs, table, W, b):
    batch, seq = inputs.shape
    B = batch * seq
    info = plsc.get_sparse_core_info()
    n_workers = info.num_cores * info.num_subcores
    b_per_w = B // n_workers
    n_chunks = b_per_w // (2 * PAIR)

    flat = inputs.reshape(B)
    ia = flat[:B // 2].reshape(n_workers, n_chunks, PAIR)
    ib = flat[B // 2:].reshape(n_workers, n_chunks, PAIR)
    idx2 = jnp.concatenate([ia, ib], axis=-1)

    table2 = pl.pallas_call(
        _t2_body,
        grid=((N_TABLE + T2_BLK - 1) // T2_BLK,),
        in_specs=[
            pl.BlockSpec((HIDDEN, T2_BLK), lambda i: (0, i)),
            pl.BlockSpec((HIDDEN, HIDDEN), lambda i: (0, 0)),
            pl.BlockSpec((1, HIDDEN), lambda i: (0, 0)),
        ],
        out_specs=pl.BlockSpec((T2_BLK, 2 * HIDDEN), lambda i: (i, 0)),
        out_shape=jax.ShapeDtypeStruct((N_TABLE, 2 * HIDDEN), jnp.float32),
    )(table.T, W, b.reshape(1, HIDDEN))

    g128 = _make_gather(B, n_workers, b_per_w, n_chunks)(idx2, table2)

    out = pl.pallas_call(
        _unpack_body,
        grid=(B // (2 * UNP_BLK),),
        in_specs=[pl.BlockSpec((UNP_BLK, 2 * HIDDEN), lambda i: (i, 0))],
        out_specs=pl.BlockSpec((2, UNP_BLK, HIDDEN), lambda i: (0, i, 0)),
        out_shape=jax.ShapeDtypeStruct((2, B // 2, HIDDEN), jnp.float32),
    )(g128)

    return out.reshape(batch, seq, HIDDEN)

# --- scband reference (transcript-rebuilt; emitter-appended) ---
"""Pipeline reference for scband-text-encoder-23656679866625 (READ-ONLY COPY).

The authoritative reference and input builder live on the scoring server;
editing this copy changes nothing except your own understanding.
"""

import jax, jax.numpy as jnp
import numpy as np

VOCAB = 1000000
HIDDEN = 64
OUT = 64

def setup_inputs(seed: int = 0) -> dict:
    key = jax.random.key(seed)
    k1, k2, k3 = jax.random.split(key, 3)
    inputs = jax.random.randint(k1, (4096, 200), 0, VOCAB)
    table = jax.random.normal(k2, (VOCAB, HIDDEN), dtype=jnp.float32) * 0.02
    # padding_idx=0: embedding row 0 is zero
    table = table.at[0].set(0.0)
    W = jax.random.normal(k3, (OUT, HIDDEN), dtype=jnp.float32) * (1.0 / np.sqrt(HIDDEN))
    b = jnp.zeros((OUT,), dtype=jnp.float32)
    return {"inputs": inputs, "table": table, "W": W, "b": b}

def reference(inputs, table, W, b):
    # nn.Embedding lookup (padding_idx row already zeroed in table)
    x = jnp.take(table, inputs, axis=0)
    x = jax.nn.relu(x)
    # dropout is identity in eval/inference mode
    out = x @ W.T + b
    return out

if __name__ == "__main__":
    import jax
    _d = setup_inputs()
    print(jax.jit(kernel)(*tuple(_d.values())))

</pallas_src>

<mosaic_0001>
#map = affine_map<(d0, d1) -> (0, 0, 0)>
#map1 = affine_map<(d0, d1) -> (0, 0)>
module attributes {stable_mosaic.version = 14 : i64} {
  func.func @gather_k(%arg0: i32, %arg1: i32, %arg2: memref<32x200x128xi32, #tpu.memory_space<hbm>>, %arg3: memref<1000000x128xf32, #tpu.memory_space<hbm>>, %arg4: memref<409600x128xf32, #tpu.memory_space<hbm>>, %arg5: memref<200x128xi32, #tpu.memory_space<vmem>>, %arg6: memref<2x2x64x128xf32, #tpu.memory_space<vmem>>, %arg7: memref<!tpu.dma_semaphore, #tpu.memory_space<semaphore_mem>>, %arg8: memref<!tpu.dma_semaphore, #tpu.memory_space<semaphore_mem>>) attributes {dimension_semantics = [#tpu.dimension_semantics<core_parallel>, #tpu.dimension_semantics<subcore_parallel>], iteration_bounds = array<i64: 2, 16>, scalar_prefetch = 0 : i64, scratch_operands = 4 : i64, tpu.core_type = #tpu.core_type<sc_vector_subcore>, window_params = [{transform_indices = #map}, {transform_indices = #map1}, {transform_indices = #map1}]} {
    %mul3A = arith.constant 2 : i32
    %mul3A_0 = arith.muli %arg1, %mul3A : i32
    %add3A = arith.addi %mul3A_0, %arg0 : i32
    %mul3A_1 = arith.constant 12800 : i32
    %mul3A_2 = arith.muli %add3A, %mul3A_1 : i32
    "tpu.region"() ({
      %run_scoped3A_125 = tpu.sem_alloc : memref<!tpu.dma_semaphore, #tpu.memory_space<semaphore_mem>>
      %dma_start3A_126 = arith.constant 0 : i32
      %dma_start3A_127 = arith.constant 0 : i32
      %dma_start3A_128 = tpu.memref_slice %arg2[%add3A, %dma_start3A_126, %dma_start3A_127] : memref<32x200x128xi32, #tpu.memory_space<hbm>> -> memref<1x200x128xi32, #tpu.memory_space<hbm>>
      %dma_start3A_129 = tpu.memref_squeeze %dma_start3A_128 : memref<1x200x128xi32, #tpu.memory_space<hbm>> -> memref<200x128xi32, #tpu.memory_space<hbm>>
      %dma_start3A_130 = arith.constant 0 : i32
      %dma_start3A_131 = arith.constant 0 : i32
      %dma_start3A_132 = tpu.memref_slice %arg2[%add3A, %dma_start3A_130, %dma_start3A_131] : memref<32x200x128xi32, #tpu.memory_space<hbm>> -> memref<1x200x128xi32, #tpu.memory_space<hbm>>
      %dma_start3A_133 = tpu.memref_squeeze %dma_start3A_132 : memref<1x200x128xi32, #tpu.memory_space<hbm>> -> memref<200x128xi32, #tpu.memory_space<hbm>>
      tpu.enqueue_dma source(%dma_start3A_133 : memref<200x128xi32, #tpu.memory_space<hbm>>) target(%arg5 : memref<200x128xi32, #tpu.memory_space<vmem>>) target_semaphore(%run_scoped3A_125 : memref<!tpu.dma_semaphore, #tpu.memory_space<semaphore_mem>>)
      %dma_wait3A_134 = arith.constant 0 : i32
      %dma_wait3A_135 = arith.constant 0 : i32
      %dma_wait3A_136 = tpu.memref_slice %arg2[%add3A, %dma_wait3A_134, %dma_wait3A_135] : memref<32x200x128xi32, #tpu.memory_space<hbm>> -> memref<1x200x128xi32, #tpu.memory_space<hbm>>
      %dma_wait3A_137 = tpu.memref_squeeze %dma_wait3A_136 : memref<1x200x128xi32, #tpu.memory_space<hbm>> -> memref<200x128xi32, #tpu.memory_space<hbm>>
      %dma_wait3A_138 = arith.constant 0 : i32
      %dma_wait3A_139 = arith.constant 0 : i32
      %dma_wait3A_140 = tpu.memref_slice %arg2[%add3A, %dma_wait3A_138, %dma_wait3A_139] : memref<32x200x128xi32, #tpu.memory_space<hbm>> -> memref<1x200x128xi32, #tpu.memory_space<hbm>>
      %dma_wait3A_141 = tpu.memref_squeeze %dma_wait3A_140 : memref<1x200x128xi32, #tpu.memory_space<hbm>> -> memref<200x128xi32, #tpu.memory_space<hbm>>
      tpu.wait_dma2 semaphore(%run_scoped3A_125 : memref<!tpu.dma_semaphore, #tpu.memory_space<semaphore_mem>>) src(%dma_wait3A_141 : memref<200x128xi32, #tpu.memory_space<hbm>>) dst(%arg5 : memref<200x128xi32, #tpu.memory_space<vmem>>)
      tpu.yield
    }) : () -> ()
    %dma_start3A = arith.constant 0 : i32
    %dma_start3A_3 = arith.constant 0 : i32
    %dma_start3A_4 = arith.constant 0 : i32
    %dma_start3A_5 = arith.constant 0 : i32
    %dma_start3A_6 = arith.constant 0 : i32
    %dma_start3A_7 = tpu.memref_slice %arg6[%dma_start3A_3, %dma_start3A_4, %dma_start3A_5, %dma_start3A_6] : memref<2x2x64x128xf32, #tpu.memory_space<vmem>> -> memref<1x1x64x128xf32, #tpu.memory_space<vmem>>
    %dma_start3A_8 = tpu.memref_squeeze %dma_start3A_7 : memref<1x1x64x128xf32, #tpu.memory_space<vmem>> -> memref<64x128xf32, #tpu.memory_space<vmem>>
    %dma_start3A_9 = arith.constant 0 : i32
    %dma_start3A_10 = tpu.memref_slice %arg5[%dma_start3A, %dma_start3A_9] : memref<200x128xi32, #tpu.memory_space<vmem>> -> memref<1x64xi32, #tpu.memory_space<vmem>>
    %dma_start3A_11 = tpu.memref_squeeze %dma_start3A_10 : memref<1x64xi32, #tpu.memory_space<vmem>> -> memref<64xi32, #tpu.memory_space<vmem>>
    %dma_start3A_12 = arith.constant 0 : i32
    %dma_start3A_13 = arith.constant 0 : i32
    %dma_start3A_14 = tpu.memref_slice %arg3[%dma_start3A_12, %dma_start3A_13] : memref<1000000x128xf32, #tpu.memory_space<hbm>> -> memref<1000000x128xf32, #tpu.memory_space<hbm>>
    tpu.enqueue_indirect_dma source(%dma_start3A_14 : memref<1000000x128xf32, #tpu.memory_space<hbm>>) target(%dma_start3A_8 : memref<64x128xf32, #tpu.memory_space<vmem>>) offsets(%dma_start3A_11 : memref<64xi32, #tpu.memory_space<vmem>>) semaphore(%arg7 : memref<!tpu.dma_semaphore, #tpu.memory_space<semaphore_mem>>)
    %dma_start3A_15 = arith.constant 0 : i32
    %dma_start3A_16 = arith.constant 0 : i32
    %dma_start3A_17 = arith.constant 1 : i32
    %dma_start3A_18 = arith.constant 0 : i32
    %dma_start3A_19 = arith.constant 0 : i32
    %dma_start3A_20 = tpu.memref_slice %arg6[%dma_start3A_16, %dma_start3A_17, %dma_start3A_18, %dma_start3A_19] : memref<2x2x64x128xf32, #tpu.memory_space<vmem>> -> memref<1x1x64x128xf32, #tpu.memory_space<vmem>>
    %dma_start3A_21 = tpu.memref_squeeze %dma_start3A_20 : memref<1x1x64x128xf32, #tpu.memory_space<vmem>> -> memref<64x128xf32, #tpu.memory_space<vmem>>
    %dma_start3A_22 = arith.constant 64 : i32
    %dma_start3A_23 = tpu.memref_slice %arg5[%dma_start3A_15, %dma_start3A_22] : memref<200x128xi32, #tpu.memory_space<vmem>> -> memref<1x64xi32, #tpu.memory_space<vmem>>
    %dma_start3A_24 = tpu.memref_squeeze %dma_start3A_23 : memref<1x64xi32, #tpu.memory_space<vmem>> -> memref<64xi32, #tpu.memory_space<vmem>>
    %dma_start3A_25 = arith.constant 0 : i32
    %dma_start3A_26 = arith.constant 0 : i32
    %dma_start3A_27 = tpu.memref_slice %arg3[%dma_start3A_25, %dma_start3A_26] : memref<1000000x128xf32, #tpu.memory_space<hbm>> -> memref<1000000x128xf32, #tpu.memory_space<hbm>>
    tpu.enqueue_indirect_dma source(%dma_start3A_27 : memref<1000000x128xf32, #tpu.memory_space<hbm>>) target(%dma_start3A_21 : memref<64x128xf32, #tpu.memory_space<vmem>>) offsets(%dma_start3A_24 : memref<64xi32, #tpu.memory_space<vmem>>) semaphore(%arg7 : memref<!tpu.dma_semaphore, #tpu.memory_space<semaphore_mem>>)
    %scan3A = arith.constant 0 : i32
    %scan3A_28 = arith.constant 0 : i32
    %scan3A_29 = arith.constant 99 : i32
    %scan3A_30 = arith.addi %scan3A_28, %scan3A_29 : i32
    %scan3A_31 = arith.constant 1 : i32
    scf.for %scan3A_125 = %scan3A_28 to %scan3A_30 step %scan3A_31  : i32 {
      %mul3A_126 = arith.constant 2 : i32
      %mul3A_127 = arith.muli %mul3A_126, %scan3A_125 : i32
      %add3A_128 = arith.constant 1 : i32
      %add3A_129 = arith.addi %mul3A_127, %add3A_128 : i32
      %dma_start3A_130 = arith.constant 1 : i32
      %dma_start3A_131 = arith.constant 0 : i32
      %dma_start3A_132 = arith.constant 0 : i32
      %dma_start3A_133 = arith.constant 0 : i32
      %dma_start3A_134 = tpu.memref_slice %arg6[%dma_start3A_130, %dma_start3A_131, %dma_start3A_132, %dma_start3A_133] : memref<2x2x64x128xf32, #tpu.memory_space<vmem>> -> memref<1x1x64x128xf32, #tpu.memory_space<vmem>>
      %dma_start3A_135 = tpu.memref_squeeze %dma_start3A_134 : memref<1x1x64x128xf32, #tpu.memory_space<vmem>> -> memref<64x128xf32, #tpu.memory_space<vmem>>
      %dma_start3A_136 = arith.constant 0 : i32
      %dma_start3A_137 = tpu.memref_slice %arg5[%add3A_129, %dma_start3A_136] : memref<200x128xi32, #tpu.memory_space<vmem>> -> memref<1x64xi32, #tpu.memory_space<vmem>>
      %dma_start3A_138 = tpu.memref_squeeze %dma_start3A_137 : memref<1x64xi32, #tpu.memory_space<vmem>> -> memref<64xi32, #tpu.memory_space<vmem>>
      %dma_start3A_139 = arith.constant 0 : i32
      %dma_start3A_140 = arith.constant 0 : i32
      %dma_start3A_141 = tpu.memref_slice %arg3[%dma_start3A_139, %dma_start3A_140] : memref<1000000x128xf32, #tpu.memory_space<hbm>> -> memref<1000000x128xf32, #tpu.memory_space<hbm>>
      tpu.enqueue_indirect_dma source(%dma_start3A_141 : memref<1000000x128xf32, #tpu.memory_space<hbm>>) target(%dma_start3A_135 : memref<64x128xf32, #tpu.memory_space<vmem>>) offsets(%dma_start3A_138 : memref<64xi32, #tpu.memory_space<vmem>>) semaphore(%arg8 : memref<!tpu.dma_semaphore, #tpu.memory_space<semaphore_mem>>)
      %dma_start3A_142 = arith.constant 1 : i32
      %dma_start3A_143 = arith.constant 1 : i32
      %dma_start3A_144 = arith.constant 0 : i32
      %dma_start3A_145 = arith.constant 0 : i32
      %dma_start3A_146 = tpu.memref_slice %arg6[%dma_start3A_142, %dma_start3A_143, %dma_start3A_144, %dma_start3A_145] : memref<2x2x64x128xf32, #tpu.memory_space<vmem>> -> memref<1x1x64x128xf32, #tpu.memory_space<vmem>>
      %dma_start3A_147 = tpu.memref_squeeze %dma_start3A_146 : memref<1x1x64x128xf32, #tpu.memory_space<vmem>> -> memref<64x128xf32, #tpu.memory_space<vmem>>
      %dma_start3A_148 = arith.constant 64 : i32
      %dma_start3A_149 = tpu.memref_slice %arg5[%add3A_129, %dma_start3A_148] : memref<200x128xi32, #tpu.memory_space<vmem>> -> memref<1x64xi32, #tpu.memory_space<vmem>>
      %dma_start3A_150 = tpu.memref_squeeze %dma_start3A_149 : memref<1x64xi32, #tpu.memory_space<vmem>> -> memref<64xi32, #tpu.memory_space<vmem>>
      %dma_start3A_151 = arith.constant 0 : i32
      %dma_start3A_152 = arith.constant 0 : i32
      %dma_start3A_153 = tpu.memref_slice %arg3[%dma_start3A_151, %dma_start3A_152] : memref<1000000x128xf32, #tpu.memory_space<hbm>> -> memref<1000000x128xf32, #tpu.memory_space<hbm>>
      tpu.enqueue_indirect_dma source(%dma_start3A_153 : memref<1000000x128xf32, #tpu.memory_space<hbm>>) target(%dma_start3A_147 : memref<64x128xf32, #tpu.memory_space<vmem>>) offsets(%dma_start3A_150 : memref<64xi32, #tpu.memory_space<vmem>>) semaphore(%arg8 : memref<!tpu.dma_semaphore, #tpu.memory_space<semaphore_mem>>)
      %dma_wait3A_154 = arith.constant 0 : i32
      %dma_wait3A_155 = arith.constant 0 : i32
      %dma_wait3A_156 = arith.constant 0 : i32
      %dma_wait3A_157 = arith.constant 0 : i32
      %dma_wait3A_158 = tpu.memref_slice %arg6[%dma_wait3A_154, %dma_wait3A_155, %dma_wait3A_156, %dma_wait3A_157] : memref<2x2x64x128xf32, #tpu.memory_space<vmem>> -> memref<1x1x64x128xf32, #tpu.memory_space<vmem>>
      %dma_wait3A_159 = tpu.memref_squeeze %dma_wait3A_158 : memref<1x1x64x128xf32, #tpu.memory_space<vmem>> -> memref<64x128xf32, #tpu.memory_space<vmem>>
      %dma_wait3A_160 = arith.constant 0 : i32
      %dma_wait3A_161 = tpu.memref_slice %arg5[%mul3A_127, %dma_wait3A_160] : memref<200x128xi32, #tpu.memory_space<vmem>> -> memref<1x64xi32, #tpu.memory_space<vmem>>
      %dma_wait3A_162 = tpu.memref_squeeze %dma_wait3A_161 : memref<1x64xi32, #tpu.memory_space<vmem>> -> memref<64xi32, #tpu.memory_space<vmem>>
      %dma_wait3A_163 = arith.constant 0 : i32
      %dma_wait3A_164 = arith.constant 0 : i32
      %dma_wait3A_165 = tpu.memref_slice %arg3[%dma_wait3A_163, %dma_wait3A_164] : memref<1000000x128xf32, #tpu.memory_space<hbm>> -> memref<1000000x128xf32, #tpu.memory_space<hbm>>
      tpu.wait_indirect_dma semaphore(%arg7 : memref<!tpu.dma_semaphore, #tpu.memory_space<semaphore_mem>>) src(%dma_wait3A_165 : memref<1000000x128xf32, #tpu.memory_space<hbm>>) dst(%dma_wait3A_159 : memref<64x128xf32, #tpu.memory_space<vmem>>)
      %dma_wait3A_166 = arith.constant 0 : i32
      %dma_wait3A_167 = arith.constant 1 : i32
      %dma_wait3A_168 = arith.constant 0 : i32
      %dma_wait3A_169 = arith.constant 0 : i32
      %dma_wait3A_170 = tpu.memref_slice %arg6[%dma_wait3A_166, %dma_wait3A_167, %dma_wait3A_168, %dma_wait3A_169] : memref<2x2x64x128xf32, #tpu.memory_space<vmem>> -> memref<1x1x64x128xf32, #tpu.memory_space<vmem>>
      %dma_wait3A_171 = tpu.memref_squeeze %dma_wait3A_170 : memref<1x1x64x128xf32, #tpu.memory_space<vmem>> -> memref<64x128xf32, #tpu.memory_space<vmem>>
      %dma_wait3A_172 = arith.constant 64 : i32
      %dma_wait3A_173 = tpu.memref_slice %arg5[%mul3A_127, %dma_wait3A_172] : memref<200x128xi32, #tpu.memory_space<vmem>> -> memref<1x64xi32, #tpu.memory_space<vmem>>
      %dma_wait3A_174 = tpu.memref_squeeze %dma_wait3A_173 : memref<1x64xi32, #tpu.memory_space<vmem>> -> memref<64xi32, #tpu.memory_space<vmem>>
      %dma_wait3A_175 = arith.constant 0 : i32
      %dma_wait3A_176 = arith.constant 0 : i32
      %dma_wait3A_177 = tpu.memref_slice %arg3[%dma_wait3A_175, %dma_wait3A_176] : memref<1000000x128xf32, #tpu.memory_space<hbm>> -> memref<1000000x128xf32, #tpu.memory_space<hbm>>
      tpu.wait_indirect_dma semaphore(%arg7 : memref<!tpu.dma_semaphore, #tpu.memory_space<semaphore_mem>>) src(%dma_wait3A_177 : memref<1000000x128xf32, #tpu.memory_space<hbm>>) dst(%dma_wait3A_171 : memref<64x128xf32, #tpu.memory_space<vmem>>)
      %mul3A_178 = arith.constant 64 : i32
      %mul3A_179 = arith.muli %mul3A_127, %mul3A_178 : i32
      %add3A_180 = arith.addi %mul3A_2, %mul3A_179 : i32
      %run_scoped3A_181 = arith.constant 0 : i32
      %run_scoped3A_182 = arith.constant 0 : i32
      "tpu.region"() ({
        %run_scoped3A_252 = tpu.sem_alloc : memref<!tpu.dma_semaphore, #tpu.memory_space<semaphore_mem>>
        %dma_start3A_253 = arith.constant 0 : i32
        %dma_start3A_254 = arith.constant 0 : i32
        %dma_start3A_255 = tpu.memref_slice %arg6[%run_scoped3A_181, %run_scoped3A_182, %dma_start3A_253, %dma_start3A_254] : memref<2x2x64x128xf32, #tpu.memory_space<vmem>> -> memref<1x1x64x64xf32, #tpu.memory_space<vmem>>
        %dma_start3A_256 = tpu.memref_squeeze %dma_start3A_255 : memref<1x1x64x64xf32, #tpu.memory_space<vmem>> -> memref<64x64xf32, #tpu.memory_space<vmem>>
        %dma_start3A_257 = arith.constant 0 : i32
        %dma_start3A_258 = tpu.memref_slice %arg4[%add3A_180, %dma_start3A_257] : memref<409600x128xf32, #tpu.memory_space<hbm>> -> memref<64x64xf32, #tpu.memory_space<hbm>>
        %dma_start3A_259 = arith.constant 0 : i32
        %dma_start3A_260 = tpu.memref_slice %arg4[%add3A_180, %dma_start3A_259] : memref<409600x128xf32, #tpu.memory_space<hbm>> -> memref<64x64xf32, #tpu.memory_space<hbm>>
        %dma_start3A_261 = arith.constant 0 : i32
        %dma_start3A_262 = arith.constant 0 : i32
        %dma_start3A_263 = tpu.memref_slice %arg6[%run_scoped3A_181, %run_scoped3A_182, %dma_start3A_261, %dma_start3A_262] : memref<2x2x64x128xf32, #tpu.memory_space<vmem>> -> memref<1x1x64x64xf32, #tpu.memory_space<vmem>>
        %dma_start3A_264 = tpu.memref_squeeze %dma_start3A_263 : memref<1x1x64x64xf32, #tpu.memory_space<vmem>> -> memref<64x64xf32, #tpu.memory_space<vmem>>
        tpu.enqueue_dma source(%dma_start3A_264 : memref<64x64xf32, #tpu.memory_space<vmem>>) target(%dma_start3A_260 : memref<64x64xf32, #tpu.memory_space<hbm>>) target_semaphore(%run_scoped3A_252 : memref<!tpu.dma_semaphore, #tpu.memory_space<semaphore_mem>>)
        %dma_wait3A_265 = arith.constant 0 : i32
        %dma_wait3A_266 = arith.constant 0 : i32
        %dma_wait3A_267 = tpu.memref_slice %arg6[%run_scoped3A_181, %run_scoped3A_182, %dma_wait3A_265, %dma_wait3A_266] : memref<2x2x64x128xf32, #tpu.memory_space<vmem>> -> memref<1x1x64x64xf32, #tpu.memory_space<vmem>>
        %dma_wait3A_268 = tpu.memref_squeeze %dma_wait3A_267 : memref<1x1x64x64xf32, #tpu.memory_space<vmem>> -> memref<64x64xf32, #tpu.memory_space<vmem>>
        %dma_wait3A_269 = arith.constant 0 : i32
        %dma_wait3A_270 = tpu.memref_slice %arg4[%add3A_180, %dma_wait3A_269] : memref<409600x128xf32, #tpu.memory_space<hbm>> -> memref<64x64xf32, #tpu.memory_space<hbm>>
        %dma_wait3A_271 = arith.constant 0 : i32
        %dma_wait3A_272 = tpu.memref_slice %arg4[%add3A_180, %dma_wait3A_271] : memref<409600x128xf32, #tpu.memory_space<hbm>> -> memref<64x64xf32, #tpu.memory_space<hbm>>
        %dma_wait3A_273 = arith.constant 0 : i32
        %dma_wait3A_274 = arith.constant 0 : i32
        %dma_wait3A_275 = tpu.memref_slice %arg6[%run_scoped3A_181, %run_scoped3A_182, %dma_wait3A_273, %dma_wait3A_274] : memref<2x2x64x128xf32, #tpu.memory_space<vmem>> -> memref<1x1x64x64xf32, #tpu.memory_space<vmem>>
        %dma_wait3A_276 = tpu.memref_squeeze %dma_wait3A_275 : memref<1x1x64x64xf32, #tpu.memory_space<vmem>> -> memref<64x64xf32, #tpu.memory_space<vmem>>
        tpu.wait_dma2 semaphore(%run_scoped3A_252 : memref<!tpu.dma_semaphore, #tpu.memory_space<semaphore_mem>>) src(%dma_wait3A_276 : memref<64x64xf32, #tpu.memory_space<vmem>>) dst(%dma_wait3A_272 : memref<64x64xf32, #tpu.memory_space<hbm>>)
        tpu.yield
      }) : () -> ()
      %mul3A_183 = arith.constant 64 : i32
      %mul3A_184 = arith.muli %mul3A_127, %mul3A_183 : i32
      %add3A_185 = arith.addi %mul3A_2, %mul3A_184 : i32
      %run_scoped3A_186 = arith.constant 0 : i32
      %run_scoped3A_187 = arith.constant 1 : i32
      "tpu.region"() ({
        %run_scoped3A_252 = tpu.sem_alloc : memref<!tpu.dma_semaphore, #tpu.memory_space<semaphore_mem>>
        %dma_start3A_253 = arith.constant 0 : i32
        %dma_start3A_254 = arith.constant 0 : i32
        %dma_start3A_255 = tpu.memref_slice %arg6[%run_scoped3A_186, %run_scoped3A_187, %dma_start3A_253, %dma_start3A_254] : memref<2x2x64x128xf32, #tpu.memory_space<vmem>> -> memref<1x1x64x64xf32, #tpu.memory_space<vmem>>
        %dma_start3A_256 = tpu.memref_squeeze %dma_start3A_255 : memref<1x1x64x64xf32, #tpu.memory_space<vmem>> -> memref<64x64xf32, #tpu.memory_space<vmem>>
        %dma_start3A_257 = arith.constant 64 : i32
        %dma_start3A_258 = tpu.memref_slice %arg4[%add3A_185, %dma_start3A_257] : memref<409600x128xf32, #tpu.memory_space<hbm>> -> memref<64x64xf32, #tpu.memory_space<hbm>>
        %dma_start3A_259 = arith.constant 64 : i32
        %dma_start3A_260 = tpu.memref_slice %arg4[%add3A_185, %dma_start3A_259] : memref<409600x128xf32, #tpu.memory_space<hbm>> -> memref<64x64xf32, #tpu.memory_space<hbm>>
        %dma_start3A_261 = arith.constant 0 : i32
        %dma_start3A_262 = arith.constant 0 : i32
        %dma_start3A_263 = tpu.memref_slice %arg6[%run_scoped3A_186, %run_scoped3A_187, %dma_start3A_261, %dma_start3A_262] : memref<2x2x64x128xf32, #tpu.memory_space<vmem>> -> memref<1x1x64x64xf32, #tpu.memory_space<vmem>>
        %dma_start3A_264 = tpu.memref_squeeze %dma_start3A_263 : memref<1x1x64x64xf32, #tpu.memory_space<vmem>> -> memref<64x64xf32, #tpu.memory_space<vmem>>
        tpu.enqueue_dma source(%dma_start3A_264 : memref<64x64xf32, #tpu.memory_space<vmem>>) target(%dma_start3A_260 : memref<64x64xf32, #tpu.memory_space<hbm>>) target_semaphore(%run_scoped3A_252 : memref<!tpu.dma_semaphore, #tpu.memory_space<semaphore_mem>>)
        %dma_wait3A_265 = arith.constant 0 : i32
        %dma_wait3A_266 = arith.constant 0 : i32
        %dma_wait3A_267 = tpu.memref_slice %arg6[%run_scoped3A_186, %run_scoped3A_187, %dma_wait3A_265, %dma_wait3A_266] : memref<2x2x64x128xf32, #tpu.memory_space<vmem>> -> memref<1x1x64x64xf32, #tpu.memory_space<vmem>>
        %dma_wait3A_268 = tpu.memref_squeeze %dma_wait3A_267 : memref<1x1x64x64xf32, #tpu.memory_space<vmem>> -> memref<64x64xf32, #tpu.memory_space<vmem>>
        %dma_wait3A_269 = arith.constant 64 : i32
        %dma_wait3A_270 = tpu.memref_slice %arg4[%add3A_185, %dma_wait3A_269] : memref<409600x128xf32, #tpu.memory_space<hbm>> -> memref<64x64xf32, #tpu.memory_space<hbm>>
        %dma_wait3A_271 = arith.constant 64 : i32
        %dma_wait3A_272 = tpu.memref_slice %arg4[%add3A_185, %dma_wait3A_271] : memref<409600x128xf32, #tpu.memory_space<hbm>> -> memref<64x64xf32, #tpu.memory_space<hbm>>
        %dma_wait3A_273 = arith.constant 0 : i32
        %dma_wait3A_274 = arith.constant 0 : i32
        %dma_wait3A_275 = tpu.memref_slice %arg6[%run_scoped3A_186, %run_scoped3A_187, %dma_wait3A_273, %dma_wait3A_274] : memref<2x2x64x128xf32, #tpu.memory_space<vmem>> -> memref<1x1x64x64xf32, #tpu.memory_space<vmem>>
        %dma_wait3A_276 = tpu.memref_squeeze %dma_wait3A_275 : memref<1x1x64x64xf32, #tpu.memory_space<vmem>> -> memref<64x64xf32, #tpu.memory_space<vmem>>
        tpu.wait_dma2 semaphore(%run_scoped3A_252 : memref<!tpu.dma_semaphore, #tpu.memory_space<semaphore_mem>>) src(%dma_wait3A_276 : memref<64x64xf32, #tpu.memory_space<vmem>>) dst(%dma_wait3A_272 : memref<64x64xf32, #tpu.memory_space<hbm>>)
        tpu.yield
      }) : () -> ()
      %add3A_188 = arith.constant 2 : i32
      %add3A_189 = arith.addi %mul3A_127, %add3A_188 : i32
      %dma_start3A_190 = arith.constant 0 : i32
      %dma_start3A_191 = arith.constant 0 : i32
      %dma_start3A_192 = arith.constant 0 : i32
      %dma_start3A_193 = arith.constant 0 : i32
      %dma_start3A_194 = tpu.memref_slice %arg6[%dma_start3A_190, %dma_start3A_191, %dma_start3A_192, %dma_start3A_193] : memref<2x2x64x128xf32, #tpu.memory_space<vmem>> -> memref<1x1x64x128xf32, #tpu.memory_space<vmem>>
      %dma_start3A_195 = tpu.memref_squeeze %dma_start3A_194 : memref<1x1x64x128xf32, #tpu.memory_space<vmem>> -> memref<64x128xf32, #tpu.memory_space<vmem>>
      %dma_start3A_196 = arith.constant 0 : i32
      %dma_start3A_197 = tpu.memref_slice %arg5[%add3A_189, %dma_start3A_196] : memref<200x128xi32, #tpu.memory_space<vmem>> -> memref<1x64xi32, #tpu.memory_space<vmem>>
      %dma_start3A_198 = tpu.memref_squeeze %dma_start3A_197 : memref<1x64xi32, #tpu.memory_space<vmem>> -> memref<64xi32, #tpu.memory_space<vmem>>
      %dma_start3A_199 = arith.constant 0 : i32
      %dma_start3A_200 = arith.constant 0 : i32
      %dma_start3A_201 = tpu.memref_slice %arg3[%dma_start3A_199, %dma_start3A_200] : memref<1000000x128xf32, #tpu.memory_space<hbm>> -> memref<1000000x128xf32, #tpu.memory_space<hbm>>
      tpu.enqueue_indirect_dma source(%dma_start3A_201 : memref<1000000x128xf32, #tpu.memory_space<hbm>>) target(%dma_start3A_195 : memref<64x128xf32, #tpu.memory_space<vmem>>) offsets(%dma_start3A_198 : memref<64xi32, #tpu.memory_space<vmem>>) semaphore(%arg7 : memref<!tpu.dma_semaphore, #tpu.memory_space<semaphore_mem>>)
      %dma_start3A_202 = arith.constant 0 : i32
      %dma_start3A_203 = arith.constant 1 : i32
      %dma_start3A_204 = arith.constant 0 : i32
      %dma_start3A_205 = arith.constant 0 : i32
      %dma_start3A_206 = tpu.memref_slice %arg6[%dma_start3A_202, %dma_start3A_203, %dma_start3A_204, %dma_start3A_205] : memref<2x2x64x128xf32, #tpu.memory_space<vmem>> -> memref<1x1x64x128xf32, #tpu.memory_space<vmem>>
      %dma_start3A_207 = tpu.memref_squeeze %dma_start3A_206 : memref<1x1x64x128xf32, #tpu.memory_space<vmem>> -> memref<64x128xf32, #tpu.memory_space<vmem>>
      %dma_start3A_208 = arith.constant 64 : i32
      %dma_start3A_209 = tpu.memref_slice %arg5[%add3A_189, %dma_start3A_208] : memref<200x128xi32, #tpu.memory_space<vmem>> -> memref<1x64xi32, #tpu.memory_space<vmem>>
      %dma_start3A_210 = tpu.memref_squeeze %dma_start3A_209 : memref<1x64xi32, #tpu.memory_space<vmem>> -> memref<64xi32, #tpu.memory_space<vmem>>
      %dma_start3A_211 = arith.constant 0 : i32
      %dma_start3A_212 = arith.constant 0 : i32
      %dma_start3A_213 = tpu.memref_slice %arg3[%dma_start3A_211, %dma_start3A_212] : memref<1000000x128xf32, #tpu.memory_space<hbm>> -> memref<1000000x128xf32, #tpu.memory_space<hbm>>
      tpu.enqueue_indirect_dma source(%dma_start3A_213 : memref<1000000x128xf32, #tpu.memory_space<hbm>>) target(%dma_start3A_207 : memref<64x128xf32, #tpu.memory_space<vmem>>) offsets(%dma_start3A_210 : memref<64xi32, #tpu.memory_space<vmem>>) semaphore(%arg7 : memref<!tpu.dma_semaphore, #tpu.memory_space<semaphore_mem>>)
      %add3A_214 = arith.constant 1 : i32
      %add3A_215 = arith.addi %mul3A_127, %add3A_214 : i32
      %dma_wait3A_216 = arith.constant 1 : i32
      %dma_wait3A_217 = arith.constant 0 : i32
      %dma_wait3A_218 = arith.constant 0 : i32
      %dma_wait3A_219 = arith.constant 0 : i32
      %dma_wait3A_220 = tpu.memref_slice %arg6[%dma_wait3A_216, %dma_wait3A_217, %dma_wait3A_218, %dma_wait3A_219] : memref<2x2x64x128xf32, #tpu.memory_space<vmem>> -> memref<1x1x64x128xf32, #tpu.memory_space<vmem>>
      %dma_wait3A_221 = tpu.memref_squeeze %dma_wait3A_220 : memref<1x1x64x128xf32, #tpu.memory_space<vmem>> -> memref<64x128xf32, #tpu.memory_space<vmem>>
      %dma_wait3A_222 = arith.constant 0 : i32
      %dma_wait3A_223 = tpu.memref_slice %arg5[%add3A_215, %dma_wait3A_222] : memref<200x128xi32, #tpu.memory_space<vmem>> -> memref<1x64xi32, #tpu.memory_space<vmem>>
      %dma_wait3A_224 = tpu.memref_squeeze %dma_wait3A_223 : memref<1x64xi32, #tpu.memory_space<vmem>> -> memref<64xi32, #tpu.memory_space<vmem>>
      %dma_wait3A_225 = arith.constant 0 : i32
      %dma_wait3A_226 = arith.constant 0 : i32
      %dma_wait3A_227 = tpu.memref_slice %arg3[%dma_wait3A_225, %dma_wait3A_226] : memref<1000000x128xf32, #tpu.memory_space<hbm>> -> memref<1000000x128xf32, #tpu.memory_space<hbm>>
      tpu.wait_indirect_dma semaphore(%arg8 : memref<!tpu.dma_semaphore, #tpu.memory_space<semaphore_mem>>) src(%dma_wait3A_227 : memref<1000000x128xf32, #tpu.memory_space<hbm>>) dst(%dma_wait3A_221 : memref<64x128xf32, #tpu.memory_space<vmem>>)
      %dma_wait3A_228 = arith.constant 1 : i32
      %dma_wait3A_229 = arith.constant 1 : i32
      %dma_wait3A_230 = arith.constant 0 : i32
      %dma_wait3A_231 = arith.constant 0 : i32
      %dma_wait3A_232 = tpu.memref_slice %arg6[%dma_wait3A_228, %dma_wait3A_229, %dma_wait3A_230, %dma_wait3A_231] : memref<2x2x64x128xf32, #tpu.memory_space<vmem>> -> memref<1x1x64x128xf32, #tpu.memory_space<vmem>>
      %dma_wait3A_233 = tpu.memref_squeeze %dma_wait3A_232 : memref<1x1x64x128xf32, #tpu.memory_space<vmem>> -> memref<64x128xf32, #tpu.memory_space<vmem>>
      %dma_wait3A_234 = arith.constant 64 : i32
      %dma_wait3A_235 = tpu.memref_slice %arg5[%add3A_215, %dma_wait3A_234] : memref<200x128xi32, #tpu.memory_space<vmem>> -> memref<1x64xi32, #tpu.memory_space<vmem>>
      %dma_wait3A_236 = tpu.memref_squeeze %dma_wait3A_235 : memref<1x64xi32, #tpu.memory_space<vmem>> -> memref<64xi32, #tpu.memory_space<vmem>>
      %dma_wait3A_237 = arith.constant 0 : i32
      %dma_wait3A_238 = arith.constant 0 : i32
      %dma_wait3A_239 = tpu.memref_slice %arg3[%dma_wait3A_237, %dma_wait3A_238] : memref<1000000x128xf32, #tpu.memory_space<hbm>> -> memref<1000000x128xf32, #tpu.memory_space<hbm>>
      tpu.wait_indirect_dma semaphore(%arg8 : memref<!tpu.dma_semaphore, #tpu.memory_space<semaphore_mem>>) src(%dma_wait3A_239 : memref<1000000x128xf32, #tpu.memory_space<hbm>>) dst(%dma_wait3A_233 : memref<64x128xf32, #tpu.memory_space<vmem>>)
      %add3A_240 = arith.constant 1 : i32
      %add3A_241 = arith.addi %mul3A_127, %add3A_240 : i32
      %mul3A_242 = arith.constant 64 : i32
      %mul3A_243 = arith.muli %add3A_241, %mul3A_242 : i32
      %add3A_244 = arith.addi %mul3A_2, %mul3A_243 : i32
      %run_scoped3A_245 = arith.constant 1 : i32
      %run_scoped3A_246 = arith.constant 0 : i32
      "tpu.region"() ({
        %run_scoped3A_252 = tpu.sem_alloc : memref<!tpu.dma_semaphore, #tpu.memory_space<semaphore_mem>>
        %dma_start3A_253 = arith.constant 0 : i32
        %dma_start3A_254 = arith.constant 0 : i32
        %dma_start3A_255 = tpu.memref_slice %arg6[%run_scoped3A_245, %run_scoped3A_246, %dma_start3A_253, %dma_start3A_254] : memref<2x2x64x128xf32, #tpu.memory_space<vmem>> -> memref<1x1x64x64xf32, #tpu.memory_space<vmem>>
        %dma_start3A_256 = tpu.memref_squeeze %dma_start3A_255 : memref<1x1x64x64xf32, #tpu.memory_space<vmem>> -> memref<64x64xf32, #tpu.memory_space<vmem>>
        %dma_start3A_257 = arith.constant 0 : i32
        %dma_start3A_258 = tpu.memref_slice %arg4[%add3A_244, %dma_start3A_257] : memref<409600x128xf32, #tpu.memory_space<hbm>> -> memref<64x64xf32, #tpu.memory_space<hbm>>
        %dma_start3A_259 = arith.constant 0 : i32
        %dma_start3A_260 = tpu.memref_slice %arg4[%add3A_244, %dma_start3A_259] : memref<409600x128xf32, #tpu.memory_space<hbm>> -> memref<64x64xf32, #tpu.memory_space<hbm>>
        %dma_start3A_261 = arith.constant 0 : i32
        %dma_start3A_262 = arith.constant 0 : i32
        %dma_start3A_263 = tpu.memref_slice %arg6[%run_scoped3A_245, %run_scoped3A_246, %dma_start3A_261, %dma_start3A_262] : memref<2x2x64x128xf32, #tpu.memory_space<vmem>> -> memref<1x1x64x64xf32, #tpu.memory_space<vmem>>
        %dma_start3A_264 = tpu.memref_squeeze %dma_start3A_263 : memref<1x1x64x64xf32, #tpu.memory_space<vmem>> -> memref<64x64xf32, #tpu.memory_space<vmem>>
        tpu.enqueue_dma source(%dma_start3A_264 : memref<64x64xf32, #tpu.memory_space<vmem>>) target(%dma_start3A_260 : memref<64x64xf32, #tpu.memory_space<hbm>>) target_semaphore(%run_scoped3A_252 : memref<!tpu.dma_semaphore, #tpu.memory_space<semaphore_mem>>)
        %dma_wait3A_265 = arith.constant 0 : i32
        %dma_wait3A_266 = arith.constant 0 : i32
        %dma_wait3A_267 = tpu.memref_slice %arg6[%run_scoped3A_245, %run_scoped3A_246, %dma_wait3A_265, %dma_wait3A_266] : memref<2x2x64x128xf32, #tpu.memory_space<vmem>> -> memref<1x1x64x64xf32, #tpu.memory_space<vmem>>
        %dma_wait3A_268 = tpu.memref_squeeze %dma_wait3A_267 : memref<1x1x64x64xf32, #tpu.memory_space<vmem>> -> memref<64x64xf32, #tpu.memory_space<vmem>>
        %dma_wait3A_269 = arith.constant 0 : i32
        %dma_wait3A_270 = tpu.memref_slice %arg4[%add3A_244, %dma_wait3A_269] : memref<409600x128xf32, #tpu.memory_space<hbm>> -> memref<64x64xf32, #tpu.memory_space<hbm>>
        %dma_wait3A_271 = arith.constant 0 : i32
        %dma_wait3A_272 = tpu.memref_slice %arg4[%add3A_244, %dma_wait3A_271] : memref<409600x128xf32, #tpu.memory_space<hbm>> -> memref<64x64xf32, #tpu.memory_space<hbm>>
        %dma_wait3A_273 = arith.constant 0 : i32
        %dma_wait3A_274 = arith.constant 0 : i32
        %dma_wait3A_275 = tpu.memref_slice %arg6[%run_scoped3A_245, %run_scoped3A_246, %dma_wait3A_273, %dma_wait3A_274] : memref<2x2x64x128xf32, #tpu.memory_space<vmem>> -> memref<1x1x64x64xf32, #tpu.memory_space<vmem>>
        %dma_wait3A_276 = tpu.memref_squeeze %dma_wait3A_275 : memref<1x1x64x64xf32, #tpu.memory_space<vmem>> -> memref<64x64xf32, #tpu.memory_space<vmem>>
        tpu.wait_dma2 semaphore(%run_scoped3A_252 : memref<!tpu.dma_semaphore, #tpu.memory_space<semaphore_mem>>) src(%dma_wait3A_276 : memref<64x64xf32, #tpu.memory_space<vmem>>) dst(%dma_wait3A_272 : memref<64x64xf32, #tpu.memory_space<hbm>>)
        tpu.yield
      }) : () -> ()
      %mul3A_247 = arith.constant 64 : i32
      %mul3A_248 = arith.muli %add3A_241, %mul3A_247 : i32
      %add3A_249 = arith.addi %mul3A_2, %mul3A_248 : i32
      %run_scoped3A_250 = arith.constant 1 : i32
      %run_scoped3A_251 = arith.constant 1 : i32
      "tpu.region"() ({
        %run_scoped3A_252 = tpu.sem_alloc : memref<!tpu.dma_semaphore, #tpu.memory_space<semaphore_mem>>
        %dma_start3A_253 = arith.constant 0 : i32
        %dma_start3A_254 = arith.constant 0 : i32
        %dma_start3A_255 = tpu.memref_slice %arg6[%run_scoped3A_250, %run_scoped3A_251, %dma_start3A_253, %dma_start3A_254] : memref<2x2x64x128xf32, #tpu.memory_space<vmem>> -> memref<1x1x64x64xf32, #tpu.memory_space<vmem>>
        %dma_start3A_256 = tpu.memref_squeeze %dma_start3A_255 : memref<1x1x64x64xf32, #tpu.memory_space<vmem>> -> memref<64x64xf32, #tpu.memory_space<vmem>>
        %dma_start3A_257 = arith.constant 64 : i32
        %dma_start3A_258 = tpu.memref_slice %arg4[%add3A_249, %dma_start3A_257] : memref<409600x128xf32, #tpu.memory_space<hbm>> -> memref<64x64xf32, #tpu.memory_space<hbm>>
        %dma_start3A_259 = arith.constant 64 : i32
        %dma_start3A_260 = tpu.memref_slice %arg4[%add3A_249, %dma_start3A_259] : memref<409600x128xf32, #tpu.memory_space<hbm>> -> memref<64x64xf32, #tpu.memory_space<hbm>>
        %dma_start3A_261 = arith.constant 0 : i32
        %dma_start3A_262 = arith.constant 0 : i32
        %dma_start3A_263 = tpu.memref_slice %arg6[%run_scoped3A_250, %run_scoped3A_251, %dma_start3A_261, %dma_start3A_262] : memref<2x2x64x128xf32, #tpu.memory_space<vmem>> -> memref<1x1x64x64xf32, #tpu.memory_space<vmem>>
        %dma_start3A_264 = tpu.memref_squeeze %dma_start3A_263 : memref<1x1x64x64xf32, #tpu.memory_space<vmem>> -> memref<64x64xf32, #tpu.memory_space<vmem>>
        tpu.enqueue_dma source(%dma_start3A_264 : memref<64x64xf32, #tpu.memory_space<vmem>>) target(%dma_start3A_260 : memref<64x64xf32, #tpu.memory_space<hbm>>) target_semaphore(%run_scoped3A_252 : memref<!tpu.dma_semaphore, #tpu.memory_space<semaphore_mem>>)
        %dma_wait3A_265 = arith.constant 0 : i32
        %dma_wait3A_266 = arith.constant 0 : i32
        %dma_wait3A_267 = tpu.memref_slice %arg6[%run_scoped3A_250, %run_scoped3A_251, %dma_wait3A_265, %dma_wait3A_266] : memref<2x2x64x128xf32, #tpu.memory_space<vmem>> -> memref<1x1x64x64xf32, #tpu.memory_space<vmem>>
        %dma_wait3A_268 = tpu.memref_squeeze %dma_wait3A_267 : memref<1x1x64x64xf32, #tpu.memory_space<vmem>> -> memref<64x64xf32, #tpu.memory_space<vmem>>
        %dma_wait3A_269 = arith.constant 64 : i32
        %dma_wait3A_270 = tpu.memref_slice %arg4[%add3A_249, %dma_wait3A_269] : memref<409600x128xf32, #tpu.memory_space<hbm>> -> memref<64x64xf32, #tpu.memory_space<hbm>>
        %dma_wait3A_271 = arith.constant 64 : i32
        %dma_wait3A_272 = tpu.memref_slice %arg4[%add3A_249, %dma_wait3A_271] : memref<409600x128xf32, #tpu.memory_space<hbm>> -> memref<64x64xf32, #tpu.memory_space<hbm>>
        %dma_wait3A_273 = arith.constant 0 : i32
        %dma_wait3A_274 = arith.constant 0 : i32
        %dma_wait3A_275 = tpu.memref_slice %arg6[%run_scoped3A_250, %run_scoped3A_251, %dma_wait3A_273, %dma_wait3A_274] : memref<2x2x64x128xf32, #tpu.memory_space<vmem>> -> memref<1x1x64x64xf32, #tpu.memory_space<vmem>>
        %dma_wait3A_276 = tpu.memref_squeeze %dma_wait3A_275 : memref<1x1x64x64xf32, #tpu.memory_space<vmem>> -> memref<64x64xf32, #tpu.memory_space<vmem>>
        tpu.wait_dma2 semaphore(%run_scoped3A_252 : memref<!tpu.dma_semaphore, #tpu.memory_space<semaphore_mem>>) src(%dma_wait3A_276 : memref<64x64xf32, #tpu.memory_space<vmem>>) dst(%dma_wait3A_272 : memref<64x64xf32, #tpu.memory_space<hbm>>)
        tpu.yield
      }) : () -> ()
    }
    %scan3A_32 = arith.constant 99 : i32
    %dma_start3A_33 = arith.constant 199 : i32
    %dma_start3A_34 = arith.constant 1 : i32
    %dma_start3A_35 = arith.constant 0 : i32
    %dma_start3A_36 = arith.constant 0 : i32
    %dma_start3A_37 = arith.constant 0 : i32
    %dma_start3A_38 = tpu.memref_slice %arg6[%dma_start3A_34, %dma_start3A_35, %dma_start3A_36, %dma_start3A_37] : memref<2x2x64x128xf32, #tpu.memory_space<vmem>> -> memref<1x1x64x128xf32, #tpu.memory_space<vmem>>
    %dma_start3A_39 = tpu.memref_squeeze %dma_start3A_38 : memref<1x1x64x128xf32, #tpu.memory_space<vmem>> -> memref<64x128xf32, #tpu.memory_space<vmem>>
    %dma_start3A_40 = arith.constant 0 : i32
    %dma_start3A_41 = tpu.memref_slice %arg5[%dma_start3A_33, %dma_start3A_40] : memref<200x128xi32, #tpu.memory_space<vmem>> -> memref<1x64xi32, #tpu.memory_space<vmem>>
    %dma_start3A_42 = tpu.memref_squeeze %dma_start3A_41 : memref<1x64xi32, #tpu.memory_space<vmem>> -> memref<64xi32, #tpu.memory_space<vmem>>
    %dma_start3A_43 = arith.constant 0 : i32
    %dma_start3A_44 = arith.constant 0 : i32
    %dma_start3A_45 = tpu.memref_slice %arg3[%dma_start3A_43, %dma_start3A_44] : memref<1000000x128xf32, #tpu.memory_space<hbm>> -> memref<1000000x128xf32, #tpu.memory_space<hbm>>
    tpu.enqueue_indirect_dma source(%dma_start3A_45 : memref<1000000x128xf32, #tpu.memory_space<hbm>>) target(%dma_start3A_39 : memref<64x128xf32, #tpu.memory_space<vmem>>) offsets(%dma_start3A_42 : memref<64xi32, #tpu.memory_space<vmem>>) semaphore(%arg8 : memref<!tpu.dma_semaphore, #tpu.memory_space<semaphore_mem>>)
    %dma_start3A_46 = arith.constant 199 : i32
    %dma_start3A_47 = arith.constant 1 : i32
    %dma_start3A_48 = arith.constant 1 : i32
    %dma_start3A_49 = arith.constant 0 : i32
    %dma_start3A_50 = arith.constant 0 : i32
    %dma_start3A_51 = tpu.memref_slice %arg6[%dma_start3A_47, %dma_start3A_48, %dma_start3A_49, %dma_start3A_50] : memref<2x2x64x128xf32, #tpu.memory_space<vmem>> -> memref<1x1x64x128xf32, #tpu.memory_space<vmem>>
    %dma_start3A_52 = tpu.memref_squeeze %dma_start3A_51 : memref<1x1x64x128xf32, #tpu.memory_space<vmem>> -> memref<64x128xf32, #tpu.memory_space<vmem>>
    %dma_start3A_53 = arith.constant 64 : i32
    %dma_start3A_54 = tpu.memref_slice %arg5[%dma_start3A_46, %dma_start3A_53] : memref<200x128xi32, #tpu.memory_space<vmem>> -> memref<1x64xi32, #tpu.memory_space<vmem>>
    %dma_start3A_55 = tpu.memref_squeeze %dma_start3A_54 : memref<1x64xi32, #tpu.memory_space<vmem>> -> memref<64xi32, #tpu.memory_space<vmem>>
    %dma_start3A_56 = arith.constant 0 : i32
    %dma_start3A_57 = arith.constant 0 : i32
    %dma_start3A_58 = tpu.memref_slice %arg3[%dma_start3A_56, %dma_start3A_57] : memref<1000000x128xf32, #tpu.memory_space<hbm>> -> memref<1000000x128xf32, #tpu.memory_space<hbm>>
    tpu.enqueue_indirect_dma source(%dma_start3A_58 : memref<1000000x128xf32, #tpu.memory_space<hbm>>) target(%dma_start3A_52 : memref<64x128xf32, #tpu.memory_space<vmem>>) offsets(%dma_start3A_55 : memref<64xi32, #tpu.memory_space<vmem>>) semaphore(%arg8 : memref<!tpu.dma_semaphore, #tpu.memory_space<semaphore_mem>>)
    %dma_wait3A = arith.constant 198 : i32
    %dma_wait3A_59 = arith.constant 0 : i32
    %dma_wait3A_60 = arith.constant 0 : i32
    %dma_wait3A_61 = arith.constant 0 : i32
    %dma_wait3A_62 = arith.constant 0 : i32
    %dma_wait3A_63 = tpu.memref_slice %arg6[%dma_wait3A_59, %dma_wait3A_60, %dma_wait3A_61, %dma_wait3A_62] : memref<2x2x64x128xf32, #tpu.memory_space<vmem>> -> memref<1x1x64x128xf32, #tpu.memory_space<vmem>>
    %dma_wait3A_64 = tpu.memref_squeeze %dma_wait3A_63 : memref<1x1x64x128xf32, #tpu.memory_space<vmem>> -> memref<64x128xf32, #tpu.memory_space<vmem>>
    %dma_wait3A_65 = arith.constant 0 : i32
    %dma_wait3A_66 = tpu.memref_slice %arg5[%dma_wait3A, %dma_wait3A_65] : memref<200x128xi32, #tpu.memory_space<vmem>> -> memref<1x64xi32, #tpu.memory_space<vmem>>
    %dma_wait3A_67 = tpu.memref_squeeze %dma_wait3A_66 : memref<1x64xi32, #tpu.memory_space<vmem>> -> memref<64xi32, #tpu.memory_space<vmem>>
    %dma_wait3A_68 = arith.constant 0 : i32
    %dma_wait3A_69 = arith.constant 0 : i32
    %dma_wait3A_70 = tpu.memref_slice %arg3[%dma_wait3A_68, %dma_wait3A_69] : memref<1000000x128xf32, #tpu.memory_space<hbm>> -> memref<1000000x128xf32, #tpu.memory_space<hbm>>
    tpu.wait_indirect_dma semaphore(%arg7 : memref<!tpu.dma_semaphore, #tpu.memory_space<semaphore_mem>>) src(%dma_wait3A_70 : memref<1000000x128xf32, #tpu.memory_space<hbm>>) dst(%dma_wait3A_64 : memref<64x128xf32, #tpu.memory_space<vmem>>)
    %dma_wait3A_71 = arith.constant 198 : i32
    %dma_wait3A_72 = arith.constant 0 : i32
    %dma_wait3A_73 = arith.constant 1 : i32
    %dma_wait3A_74 = arith.constant 0 : i32
    %dma_wait3A_75 = arith.constant 0 : i32
    %dma_wait3A_76 = tpu.memref_slice %arg6[%dma_wait3A_72, %dma_wait3A_73, %dma_wait3A_74, %dma_wait3A_75] : memref<2x2x64x128xf32, #tpu.memory_space<vmem>> -> memref<1x1x64x128xf32, #tpu.memory_space<vmem>>
    %dma_wait3A_77 = tpu.memref_squeeze %dma_wait3A_76 : memref<1x1x64x128xf32, #tpu.memory_space<vmem>> -> memref<64x128xf32, #tpu.memory_space<vmem>>
    %dma_wait3A_78 = arith.constant 64 : i32
    %dma_wait3A_79 = tpu.memref_slice %arg5[%dma_wait3A_71, %dma_wait3A_78] : memref<200x128xi32, #tpu.memory_space<vmem>> -> memref<1x64xi32, #tpu.memory_space<vmem>>
    %dma_wait3A_80 = tpu.memref_squeeze %dma_wait3A_79 : memref<1x64xi32, #tpu.memory_space<vmem>> -> memref<64xi32, #tpu.memory_space<vmem>>
    %dma_wait3A_81 = arith.constant 0 : i32
    %dma_wait3A_82 = arith.constant 0 : i32
    %dma_wait3A_83 = tpu.memref_slice %arg3[%dma_wait3A_81, %dma_wait3A_82] : memref<1000000x128xf32, #tpu.memory_space<hbm>> -> memref<1000000x128xf32, #tpu.memory_space<hbm>>
    tpu.wait_indirect_dma semaphore(%arg7 : memref<!tpu.dma_semaphore, #tpu.memory_space<semaphore_mem>>) src(%dma_wait3A_83 : memref<1000000x128xf32, #tpu.memory_space<hbm>>) dst(%dma_wait3A_77 : memref<64x128xf32, #tpu.memory_space<vmem>>)
    %add3A_84 = arith.constant 12672 : i32
    %add3A_85 = arith.addi %mul3A_2, %add3A_84 : i32
    %run_scoped3A = arith.constant 0 : i32
    %run_scoped3A_86 = arith.constant 0 : i32
    "tpu.region"() ({
      %run_scoped3A_125 = tpu.sem_alloc : memref<!tpu.dma_semaphore, #tpu.memory_space<semaphore_mem>>
      %dma_start3A_126 = arith.constant 0 : i32
      %dma_start3A_127 = arith.constant 0 : i32
      %dma_start3A_128 = tpu.memref_slice %arg6[%run_scoped3A, %run_scoped3A_86, %dma_start3A_126, %dma_start3A_127] : memref<2x2x64x128xf32, #tpu.memory_space<vmem>> -> memref<1x1x64x64xf32, #tpu.memory_space<vmem>>
      %dma_start3A_129 = tpu.memref_squeeze %dma_start3A_128 : memref<1x1x64x64xf32, #tpu.memory_space<vmem>> -> memref<64x64xf32, #tpu.memory_space<vmem>>
      %dma_start3A_130 = arith.constant 0 : i32
      %dma_start3A_131 = tpu.memref_slice %arg4[%add3A_85, %dma_start3A_130] : memref<409600x128xf32, #tpu.memory_space<hbm>> -> memref<64x64xf32, #tpu.memory_space<hbm>>
      %dma_start3A_132 = arith.constant 0 : i32
      %dma_start3A_133 = tpu.memref_slice %arg4[%add3A_85, %dma_start3A_132] : memref<409600x128xf32, #tpu.memory_space<hbm>> -> memref<64x64xf32, #tpu.memory_space<hbm>>
      %dma_start3A_134 = arith.constant 0 : i32
      %dma_start3A_135 = arith.constant 0 : i32
      %dma_start3A_136 = tpu.memref_slice %arg6[%run_scoped3A, %run_scoped3A_86, %dma_start3A_134, %dma_start3A_135] : memref<2x2x64x128xf32, #tpu.memory_space<vmem>> -> memref<1x1x64x64xf32, #tpu.memory_space<vmem>>
      %dma_start3A_137 = tpu.memref_squeeze %dma_start3A_136 : memref<1x1x64x64xf32, #tpu.memory_space<vmem>> -> memref<64x64xf32, #tpu.memory_space<vmem>>
      tpu.enqueue_dma source(%dma_start3A_137 : memref<64x64xf32, #tpu.memory_space<vmem>>) target(%dma_start3A_133 : memref<64x64xf32, #tpu.memory_space<hbm>>) target_semaphore(%run_scoped3A_125 : memref<!tpu.dma_semaphore, #tpu.memory_space<semaphore_mem>>)
      %dma_wait3A_138 = arith.constant 0 : i32
      %dma_wait3A_139 = arith.constant 0 : i32
      %dma_wait3A_140 = tpu.memref_slice %arg6[%run_scoped3A, %run_scoped3A_86, %dma_wait3A_138, %dma_wait3A_139] : memref<2x2x64x128xf32, #tpu.memory_space<vmem>> -> memref<1x1x64x64xf32, #tpu.memory_space<vmem>>
      %dma_wait3A_141 = tpu.memref_squeeze %dma_wait3A_140 : memref<1x1x64x64xf32, #tpu.memory_space<vmem>> -> memref<64x64xf32, #tpu.memory_space<vmem>>
      %dma_wait3A_142 = arith.constant 0 : i32
      %dma_wait3A_143 = tpu.memref_slice %arg4[%add3A_85, %dma_wait3A_142] : memref<409600x128xf32, #tpu.memory_space<hbm>> -> memref<64x64xf32, #tpu.memory_space<hbm>>
      %dma_wait3A_144 = arith.constant 0 : i32
      %dma_wait3A_145 = tpu.memref_slice %arg4[%add3A_85, %dma_wait3A_144] : memref<409600x128xf32, #tpu.memory_space<hbm>> -> memref<64x64xf32, #tpu.memory_space<hbm>>
      %dma_wait3A_146 = arith.constant 0 : i32
      %dma_wait3A_147 = arith.constant 0 : i32
      %dma_wait3A_148 = tpu.memref_slice %arg6[%run_scoped3A, %run_scoped3A_86, %dma_wait3A_146, %dma_wait3A_147] : memref<2x2x64x128xf32, #tpu.memory_space<vmem>> -> memref<1x1x64x64xf32, #tpu.memory_space<vmem>>
      %dma_wait3A_149 = tpu.memref_squeeze %dma_wait3A_148 : memref<1x1x64x64xf32, #tpu.memory_space<vmem>> -> memref<64x64xf32, #tpu.memory_space<vmem>>
      tpu.wait_dma2 semaphore(%run_scoped3A_125 : memref<!tpu.dma_semaphore, #tpu.memory_space<semaphore_mem>>) src(%dma_wait3A_149 : memref<64x64xf32, #tpu.memory_space<vmem>>) dst(%dma_wait3A_145 : memref<64x64xf32, #tpu.memory_space<hbm>>)
      tpu.yield
    }) : () -> ()
    %add3A_87 = arith.constant 12672 : i32
    %add3A_88 = arith.addi %mul3A_2, %add3A_87 : i32
    %run_scoped3A_89 = arith.constant 0 : i32
    %run_scoped3A_90 = arith.constant 1 : i32
    "tpu.region"() ({
      %run_scoped3A_125 = tpu.sem_alloc : memref<!tpu.dma_semaphore, #tpu.memory_space<semaphore_mem>>
      %dma_start3A_126 = arith.constant 0 : i32
      %dma_start3A_127 = arith.constant 0 : i32
      %dma_start3A_128 = tpu.memref_slice %arg6[%run_scoped3A_89, %run_scoped3A_90, %dma_start3A_126, %dma_start3A_127] : memref<2x2x64x128xf32, #tpu.memory_space<vmem>> -> memref<1x1x64x64xf32, #tpu.memory_space<vmem>>
      %dma_start3A_129 = tpu.memref_squeeze %dma_start3A_128 : memref<1x1x64x64xf32, #tpu.memory_space<vmem>> -> memref<64x64xf32, #tpu.memory_space<vmem>>
      %dma_start3A_130 = arith.constant 64 : i32
      %dma_start3A_131 = tpu.memref_slice %arg4[%add3A_88, %dma_start3A_130] : memref<409600x128xf32, #tpu.memory_space<hbm>> -> memref<64x64xf32, #tpu.memory_space<hbm>>
      %dma_start3A_132 = arith.constant 64 : i32
      %dma_start3A_133 = tpu.memref_slice %arg4[%add3A_88, %dma_start3A_132] : memref<409600x128xf32, #tpu.memory_space<hbm>> -> memref<64x64xf32, #tpu.memory_space<hbm>>
      %dma_start3A_134 = arith.constant 0 : i32
      %dma_start3A_135 = arith.constant 0 : i32
      %dma_start3A_136 = tpu.memref_slice %arg6[%run_scoped3A_89, %run_scoped3A_90, %dma_start3A_134, %dma_start3A_135] : memref<2x2x64x128xf32, #tpu.memory_space<vmem>> -> memref<1x1x64x64xf32, #tpu.memory_space<vmem>>
      %dma_start3A_137 = tpu.memref_squeeze %dma_start3A_136 : memref<1x1x64x64xf32, #tpu.memory_space<vmem>> -> memref<64x64xf32, #tpu.memory_space<vmem>>
      tpu.enqueue_dma source(%dma_start3A_137 : memref<64x64xf32, #tpu.memory_space<vmem>>) target(%dma_start3A_133 : memref<64x64xf32, #tpu.memory_space<hbm>>) target_semaphore(%run_scoped3A_125 : memref<!tpu.dma_semaphore, #tpu.memory_space<semaphore_mem>>)
      %dma_wait3A_138 = arith.constant 0 : i32
      %dma_wait3A_139 = arith.constant 0 : i32
      %dma_wait3A_140 = tpu.memref_slice %arg6[%run_scoped3A_89, %run_scoped3A_90, %dma_wait3A_138, %dma_wait3A_139] : memref<2x2x64x128xf32, #tpu.memory_space<vmem>> -> memref<1x1x64x64xf32, #tpu.memory_space<vmem>>
      %dma_wait3A_141 = tpu.memref_squeeze %dma_wait3A_140 : memref<1x1x64x64xf32, #tpu.memory_space<vmem>> -> memref<64x64xf32, #tpu.memory_space<vmem>>
      %dma_wait3A_142 = arith.constant 64 : i32
      %dma_wait3A_143 = tpu.memref_slice %arg4[%add3A_88, %dma_wait3A_142] : memref<409600x128xf32, #tpu.memory_space<hbm>> -> memref<64x64xf32, #tpu.memory_space<hbm>>
      %dma_wait3A_144 = arith.constant 64 : i32
      %dma_wait3A_145 = tpu.memref_slice %arg4[%add3A_88, %dma_wait3A_144] : memref<409600x128xf32, #tpu.memory_space<hbm>> -> memref<64x64xf32, #tpu.memory_space<hbm>>
      %dma_wait3A_146 = arith.constant 0 : i32
      %dma_wait3A_147 = arith.constant 0 : i32
      %dma_wait3A_148 = tpu.memref_slice %arg6[%run_scoped3A_89, %run_scoped3A_90, %dma_wait3A_146, %dma_wait3A_147] : memref<2x2x64x128xf32, #tpu.memory_space<vmem>> -> memref<1x1x64x64xf32, #tpu.memory_space<vmem>>
      %dma_wait3A_149 = tpu.memref_squeeze %dma_wait3A_148 : memref<1x1x64x64xf32, #tpu.memory_space<vmem>> -> memref<64x64xf32, #tpu.memory_space<vmem>>
      tpu.wait_dma2 semaphore(%run_scoped3A_125 : memref<!tpu.dma_semaphore, #tpu.memory_space<semaphore_mem>>) src(%dma_wait3A_149 : memref<64x64xf32, #tpu.memory_space<vmem>>) dst(%dma_wait3A_145 : memref<64x64xf32, #tpu.memory_space<hbm>>)
      tpu.yield
    }) : () -> ()
    %dma_wait3A_91 = arith.constant 199 : i32
    %dma_wait3A_92 = arith.constant 1 : i32
    %dma_wait3A_93 = arith.constant 0 : i32
    %dma_wait3A_94 = arith.constant 0 : i32
    %dma_wait3A_95 = arith.constant 0 : i32
    %dma_wait3A_96 = tpu.memref_slice %arg6[%dma_wait3A_92, %dma_wait3A_93, %dma_wait3A_94, %dma_wait3A_95] : memref<2x2x64x128xf32, #tpu.memory_space<vmem>> -> memref<1x1x64x128xf32, #tpu.memory_space<vmem>>
    %dma_wait3A_97 = tpu.memref_squeeze %dma_wait3A_96 : memref<1x1x64x128xf32, #tpu.memory_space<vmem>> -> memref<64x128xf32, #tpu.memory_space<vmem>>
    %dma_wait3A_98 = arith.constant 0 : i32
    %dma_wait3A_99 = tpu.memref_slice %arg5[%dma_wait3A_91, %dma_wait3A_98] : memref<200x128xi32, #tpu.memory_space<vmem>> -> memref<1x64xi32, #tpu.memory_space<vmem>>
    %dma_wait3A_100 = tpu.memref_squeeze %dma_wait3A_99 : memref<1x64xi32, #tpu.memory_space<vmem>> -> memref<64xi32, #tpu.memory_space<vmem>>
    %dma_wait3A_101 = arith.constant 0 : i32
    %dma_wait3A_102 = arith.constant 0 : i32
    %dma_wait3A_103 = tpu.memref_slice %arg3[%dma_wait3A_101, %dma_wait3A_102] : memref<1000000x128xf32, #tpu.memory_space<hbm>> -> memref<1000000x128xf32, #tpu.memory_space<hbm>>
    tpu.wait_indirect_dma semaphore(%arg8 : memref<!tpu.dma_semaphore, #tpu.memory_space<semaphore_mem>>) src(%dma_wait3A_103 : memref<1000000x128xf32, #tpu.memory_space<hbm>>) dst(%dma_wait3A_97 : memref<64x128xf32, #tpu.memory_space<vmem>>)
    %dma_wait3A_104 = arith.constant 199 : i32
    %dma_wait3A_105 = arith.constant 1 : i32
    %dma_wait3A_106 = arith.constant 1 : i32
    %dma_wait3A_107 = arith.constant 0 : i32
    %dma_wait3A_108 = arith.constant 0 : i32
    %dma_wait3A_109 = tpu.memref_slice %arg6[%dma_wait3A_105, %dma_wait3A_106, %dma_wait3A_107, %dma_wait3A_108] : memref<2x2x64x128xf32, #tpu.memory_space<vmem>> -> memref<1x1x64x128xf32, #tpu.memory_space<vmem>>
    %dma_wait3A_110 = tpu.memref_squeeze %dma_wait3A_109 : memref<1x1x64x128xf32, #tpu.memory_space<vmem>> -> memref<64x128xf32, #tpu.memory_space<vmem>>
    %dma_wait3A_111 = arith.constant 64 : i32
    %dma_wait3A_112 = tpu.memref_slice %arg5[%dma_wait3A_104, %dma_wait3A_111] : memref<200x128xi32, #tpu.memory_space<vmem>> -> memref<1x64xi32, #tpu.memory_space<vmem>>
    %dma_wait3A_113 = tpu.memref_squeeze %dma_wait3A_112 : memref<1x64xi32, #tpu.memory_space<vmem>> -> memref<64xi32, #tpu.memory_space<vmem>>
    %dma_wait3A_114 = arith.constant 0 : i32
    %dma_wait3A_115 = arith.constant 0 : i32
    %dma_wait3A_116 = tpu.memref_slice %arg3[%dma_wait3A_114, %dma_wait3A_115] : memref<1000000x128xf32, #tpu.memory_space<hbm>> -> memref<1000000x128xf32, #tpu.memory_space<hbm>>
    tpu.wait_indirect_dma semaphore(%arg8 : memref<!tpu.dma_semaphore, #tpu.memory_space<semaphore_mem>>) src(%dma_wait3A_116 : memref<1000000x128xf32, #tpu.memory_space<hbm>>) dst(%dma_wait3A_110 : memref<64x128xf32, #tpu.memory_space<vmem>>)
    %add3A_117 = arith.constant 12736 : i32
    %add3A_118 = arith.addi %mul3A_2, %add3A_117 : i32
    %run_scoped3A_119 = arith.constant 1 : i32
    %run_scoped3A_120 = arith.constant 0 : i32
    "tpu.region"() ({
      %run_scoped3A_125 = tpu.sem_alloc : memref<!tpu.dma_semaphore, #tpu.memory_space<semaphore_mem>>
      %dma_start3A_126 = arith.constant 0 : i32
      %dma_start3A_127 = arith.constant 0 : i32
      %dma_start3A_128 = tpu.memref_slice %arg6[%run_scoped3A_119, %run_scoped3A_120, %dma_start3A_126, %dma_start3A_127] : memref<2x2x64x128xf32, #tpu.memory_space<vmem>> -> memref<1x1x64x64xf32, #tpu.memory_space<vmem>>
      %dma_start3A_129 = tpu.memref_squeeze %dma_start3A_128 : memref<1x1x64x64xf32, #tpu.memory_space<vmem>> -> memref<64x64xf32, #tpu.memory_space<vmem>>
      %dma_start3A_130 = arith.constant 0 : i32
      %dma_start3A_131 = tpu.memref_slice %arg4[%add3A_118, %dma_start3A_130] : memref<409600x128xf32, #tpu.memory_space<hbm>> -> memref<64x64xf32, #tpu.memory_space<hbm>>
      %dma_start3A_132 = arith.constant 0 : i32
      %dma_start3A_133 = tpu.memref_slice %arg4[%add3A_118, %dma_start3A_132] : memref<409600x128xf32, #tpu.memory_space<hbm>> -> memref<64x64xf32, #tpu.memory_space<hbm>>
      %dma_start3A_134 = arith.constant 0 : i32
      %dma_start3A_135 = arith.constant 0 : i32
      %dma_start3A_136 = tpu.memref_slice %arg6[%run_scoped3A_119, %run_scoped3A_120, %dma_start3A_134, %dma_start3A_135] : memref<2x2x64x128xf32, #tpu.memory_space<vmem>> -> memref<1x1x64x64xf32, #tpu.memory_space<vmem>>
      %dma_start3A_137 = tpu.memref_squeeze %dma_start3A_136 : memref<1x1x64x64xf32, #tpu.memory_space<vmem>> -> memref<64x64xf32, #tpu.memory_space<vmem>>
      tpu.enqueue_dma source(%dma_start3A_137 : memref<64x64xf32, #tpu.memory_space<vmem>>) target(%dma_start3A_133 : memref<64x64xf32, #tpu.memory_space<hbm>>) target_semaphore(%run_scoped3A_125 : memref<!tpu.dma_semaphore, #tpu.memory_space<semaphore_mem>>)
      %dma_wait3A_138 = arith.constant 0 : i32
      %dma_wait3A_139 = arith.constant 0 : i32
      %dma_wait3A_140 = tpu.memref_slice %arg6[%run_scoped3A_119, %run_scoped3A_120, %dma_wait3A_138, %dma_wait3A_139] : memref<2x2x64x128xf32, #tpu.memory_space<vmem>> -> memref<1x1x64x64xf32, #tpu.memory_space<vmem>>
      %dma_wait3A_141 = tpu.memref_squeeze %dma_wait3A_140 : memref<1x1x64x64xf32, #tpu.memory_space<vmem>> -> memref<64x64xf32, #tpu.memory_space<vmem>>
      %dma_wait3A_142 = arith.constant 0 : i32
      %dma_wait3A_143 = tpu.memref_slice %arg4[%add3A_118, %dma_wait3A_142] : memref<409600x128xf32, #tpu.memory_space<hbm>> -> memref<64x64xf32, #tpu.memory_space<hbm>>
      %dma_wait3A_144 = arith.constant 0 : i32
      %dma_wait3A_145 = tpu.memref_slice %arg4[%add3A_118, %dma_wait3A_144] : memref<409600x128xf32, #tpu.memory_space<hbm>> -> memref<64x64xf32, #tpu.memory_space<hbm>>
      %dma_wait3A_146 = arith.constant 0 : i32
      %dma_wait3A_147 = arith.constant 0 : i32
      %dma_wait3A_148 = tpu.memref_slice %arg6[%run_scoped3A_119, %run_scoped3A_120, %dma_wait3A_146, %dma_wait3A_147] : memref<2x2x64x128xf32, #tpu.memory_space<vmem>> -> memref<1x1x64x64xf32, #tpu.memory_space<vmem>>
      %dma_wait3A_149 = tpu.memref_squeeze %dma_wait3A_148 : memref<1x1x64x64xf32, #tpu.memory_space<vmem>> -> memref<64x64xf32, #tpu.memory_space<vmem>>
      tpu.wait_dma2 semaphore(%run_scoped3A_125 : memref<!tpu.dma_semaphore, #tpu.memory_space<semaphore_mem>>) src(%dma_wait3A_149 : memref<64x64xf32, #tpu.memory_space<vmem>>) dst(%dma_wait3A_145 : memref<64x64xf32, #tpu.memory_space<hbm>>)
      tpu.yield
    }) : () -> ()
    %add3A_121 = arith.constant 12736 : i32
    %add3A_122 = arith.addi %mul3A_2, %add3A_121 : i32
    %run_scoped3A_123 = arith.constant 1 : i32
    %run_scoped3A_124 = arith.constant 1 : i32
    "tpu.region"() ({
      %run_scoped3A_125 = tpu.sem_alloc : memref<!tpu.dma_semaphore, #tpu.memory_space<semaphore_mem>>
      %dma_start3A_126 = arith.constant 0 : i32
      %dma_start3A_127 = arith.constant 0 : i32
      %dma_start3A_128 = tpu.memref_slice %arg6[%run_scoped3A_123, %run_scoped3A_124, %dma_start3A_126, %dma_start3A_127] : memref<2x2x64x128xf32, #tpu.memory_space<vmem>> -> memref<1x1x64x64xf32, #tpu.memory_space<vmem>>
      %dma_start3A_129 = tpu.memref_squeeze %dma_start3A_128 : memref<1x1x64x64xf32, #tpu.memory_space<vmem>> -> memref<64x64xf32, #tpu.memory_space<vmem>>
      %dma_start3A_130 = arith.constant 64 : i32
      %dma_start3A_131 = tpu.memref_slice %arg4[%add3A_122, %dma_start3A_130] : memref<409600x128xf32, #tpu.memory_space<hbm>> -> memref<64x64xf32, #tpu.memory_space<hbm>>
      %dma_start3A_132 = arith.constant 64 : i32
      %dma_start3A_133 = tpu.memref_slice %arg4[%add3A_122, %dma_start3A_132] : memref<409600x128xf32, #tpu.memory_space<hbm>> -> memref<64x64xf32, #tpu.memory_space<hbm>>
      %dma_start3A_134 = arith.constant 0 : i32
      %dma_start3A_135 = arith.constant 0 : i32
      %dma_start3A_136 = tpu.memref_slice %arg6[%run_scoped3A_123, %run_scoped3A_124, %dma_start3A_134, %dma_start3A_135] : memref<2x2x64x128xf32, #tpu.memory_space<vmem>> -> memref<1x1x64x64xf32, #tpu.memory_space<vmem>>
      %dma_start3A_137 = tpu.memref_squeeze %dma_start3A_136 : memref<1x1x64x64xf32, #tpu.memory_space<vmem>> -> memref<64x64xf32, #tpu.memory_space<vmem>>
      tpu.enqueue_dma source(%dma_start3A_137 : memref<64x64xf32, #tpu.memory_space<vmem>>) target(%dma_start3A_133 : memref<64x64xf32, #tpu.memory_space<hbm>>) target_semaphore(%run_scoped3A_125 : memref<!tpu.dma_semaphore, #tpu.memory_space<semaphore_mem>>)
      %dma_wait3A_138 = arith.constant 0 : i32
      %dma_wait3A_139 = arith.constant 0 : i32
      %dma_wait3A_140 = tpu.memref_slice %arg6[%run_scoped3A_123, %run_scoped3A_124, %dma_wait3A_138, %dma_wait3A_139] : memref<2x2x64x128xf32, #tpu.memory_space<vmem>> -> memref<1x1x64x64xf32, #tpu.memory_space<vmem>>
      %dma_wait3A_141 = tpu.memref_squeeze %dma_wait3A_140 : memref<1x1x64x64xf32, #tpu.memory_space<vmem>> -> memref<64x64xf32, #tpu.memory_space<vmem>>
      %dma_wait3A_142 = arith.constant 64 : i32
      %dma_wait3A_143 = tpu.memref_slice %arg4[%add3A_122, %dma_wait3A_142] : memref<409600x128xf32, #tpu.memory_space<hbm>> -> memref<64x64xf32, #tpu.memory_space<hbm>>
      %dma_wait3A_144 = arith.constant 64 : i32
      %dma_wait3A_145 = tpu.memref_slice %arg4[%add3A_122, %dma_wait3A_144] : memref<409600x128xf32, #tpu.memory_space<hbm>> -> memref<64x64xf32, #tpu.memory_space<hbm>>
      %dma_wait3A_146 = arith.constant 0 : i32
      %dma_wait3A_147 = arith.constant 0 : i32
      %dma_wait3A_148 = tpu.memref_slice %arg6[%run_scoped3A_123, %run_scoped3A_124, %dma_wait3A_146, %dma_wait3A_147] : memref<2x2x64x128xf32, #tpu.memory_space<vmem>> -> memref<1x1x64x64xf32, #tpu.memory_space<vmem>>
      %dma_wait3A_149 = tpu.memref_squeeze %dma_wait3A_148 : memref<1x1x64x64xf32, #tpu.memory_space<vmem>> -> memref<64x64xf32, #tpu.memory_space<vmem>>
      tpu.wait_dma2 semaphore(%run_scoped3A_125 : memref<!tpu.dma_semaphore, #tpu.memory_space<semaphore_mem>>) src(%dma_wait3A_149 : memref<64x64xf32, #tpu.memory_space<vmem>>) dst(%dma_wait3A_145 : memref<64x64xf32, #tpu.memory_space<hbm>>)
      tpu.yield
    }) : () -> ()
    return
  }
}

module attributes {stable_mosaic.version = 14 : i64} {
  func.func @_t2_body(%arg0: i32, %arg1: memref<64x8192xf32, #tpu.memory_space<vmem>>, %arg2: memref<64x64xf32, #tpu.memory_space<vmem>>, %arg3: memref<1x64xf32, #tpu.memory_space<vmem>>, %arg4: memref<8192x128xf32, #tpu.memory_space<vmem>>) attributes {dimension_semantics = [#tpu.dimension_semantics<arbitrary>], iteration_bounds = array<i64: 123>, scalar_prefetch = 0 : i64, scratch_operands = 0 : i64, tpu.core_type = #tpu.core_type<tc>, window_params = [{transform_indices = @transform_0, window_bounds = array<i64: 64, 8192>}, {pipeline_mode = #tpu.pipeline_mode<synchronous>, transform_indices = @transform_1, window_bounds = array<i64: 64, 64>}, {pipeline_mode = #tpu.pipeline_mode<synchronous>, transform_indices = @transform_2, window_bounds = array<i64: 1, 64>}, {transform_indices = @transform_3, window_bounds = array<i64: 8192, 128>}]} {
    %get3A = arith.constant 0 : index
    %get3A_0 = arith.constant 0 : index
    %get3A_1 = vector.load %arg1[%get3A, %get3A_0] : memref<64x8192xf32, #tpu.memory_space<vmem>>, vector<64x8192xf32>
    %max3A = arith.constant 0.000000e+00 : f32
    %max3A_2 = vector.broadcast %max3A : f32 to vector<64x8192xf32>
    %max3A_3 = arith.maximumf %get3A_1, %max3A_2 : vector<64x8192xf32>
    %transpose3A = tpu.transpose %max3A_3, [1, 0] : vector<64x8192xf32> -> vector<8192x64xf32>
    %get3A_4 = arith.constant 0 : index
    %get3A_5 = arith.constant 0 : index
    %get3A_6 = vector.load %arg2[%get3A_4, %get3A_5] : memref<64x64xf32, #tpu.memory_space<vmem>>, vector<64x64xf32>
    %dot_general3A = arith.constant dense<0.000000e+00> : vector<8192x64xf32>
    %dot_general3A_7 = tpu.matmul %transpose3A, %get3A_6, %dot_general3A {dimension_numbers = #tpu.dot_dimension_numbers<[1], [1], [0], [0], [0, 0, 1, 0], [], []>, transpose_lhs_hint = false} : vector<8192x64xf32>, vector<64x64xf32>, vector<8192x64xf32> -> vector<8192x64xf32>
    %get3A_8 = arith.constant 0 : index
    %get3A_9 = arith.constant 0 : index
    %get3A_10 = vector.load %arg3[%get3A_8, %get3A_9] : memref<1x64xf32, #tpu.memory_space<vmem>>, vector<1x64xf32>
    %add3A = vector.broadcast %get3A_10 : vector<1x64xf32> to vector<8192x64xf32>
    %add3A_11 = arith.addf %dot_general3A_7, %add3A : vector<8192x64xf32>
    %swap3A = arith.constant 0 : index
    %swap3A_12 = arith.constant 0 : index
    %swap3A_13 = vector.load %arg4[%swap3A, %swap3A_12] : memref<8192x128xf32, #tpu.memory_space<vmem>>, vector<8192x64xf32>
    tpu.vector_store %arg4[%swap3A, %swap3A_12], %add3A_11 {strides = array<i32>} : memref<8192x128xf32, #tpu.memory_space<vmem>>, vector<8192x64xf32>,
    return
  }
  func.func @transform_0(%arg0: i32) -> (i32, i32) {
    %c0_i32 = arith.constant 0 : i32
    %c0_i32_0 = arith.constant 0 : i32
    return %c0_i32, %arg0 : i32, i32
  }
  func.func @transform_1(%arg0: i32) -> (i32, i32) {
    %c0_i32 = arith.constant 0 : i32
    %c0_i32_0 = arith.constant 0 : i32
    %c0_i32_1 = arith.constant 0 : i32
    return %c0_i32, %c0_i32_0 : i32, i32
  }
  func.func @transform_2(%arg0: i32) -> (i32, i32) {
    %c0_i32 = arith.constant 0 : i32
    %c0_i32_0 = arith.constant 0 : i32
    %c0_i32_1 = arith.constant 0 : i32
    return %c0_i32, %c0_i32_0 : i32, i32
  }
  func.func @transform_3(%arg0: i32) -> (i32, i32) {
    %c0_i32 = arith.constant 0 : i32
    %c0_i32_0 = arith.constant 0 : i32
    return %arg0, %c0_i32 : i32, i32
  }
}

module attributes {stable_mosaic.version = 14 : i64} {
  func.func @_unpack_body(%arg0: i32, %arg1: memref<4096x128xf32, #tpu.memory_space<vmem>>, %arg2: memref<2x4096x64xf32, #tpu.memory_space<vmem>>) attributes {dimension_semantics = [#tpu.dimension_semantics<arbitrary>], iteration_bounds = array<i64: 100>, scalar_prefetch = 0 : i64, scratch_operands = 0 : i64, tpu.core_type = #tpu.core_type<tc>, window_params = [{transform_indices = @transform_0, window_bounds = array<i64: 4096, 128>}, {transform_indices = @transform_1, window_bounds = array<i64: 2, 4096, 64>}]} {
    %get3A = arith.constant 0 : index
    %get3A_0 = arith.constant 0 : index
    %get3A_1 = vector.load %arg1[%get3A, %get3A_0] : memref<4096x128xf32, #tpu.memory_space<vmem>>, vector<4096x128xf32>
    %slice3A = vector.extract_strided_slice %get3A_1 {offsets = [0, 0], sizes = [4096, 64], strides = [1, 1]} : vector<4096x128xf32> to vector<4096x64xf32>
    %swap3A = arith.constant 0 : index
    %swap3A_2 = arith.constant 0 : index
    %swap3A_3 = arith.constant 0 : index
    %swap3A_4 = vector.load %arg2[%swap3A, %swap3A_2, %swap3A_3] : memref<2x4096x64xf32, #tpu.memory_space<vmem>>, vector<1x4096x64xf32>
    %swap3A_5 = vector.shape_cast %swap3A_4 : vector<1x4096x64xf32> to vector<4096x64xf32>
    %swap3A_6 = vector.shape_cast %slice3A : vector<4096x64xf32> to vector<1x4096x64xf32>
    tpu.vector_store %arg2[%swap3A, %swap3A_2, %swap3A_3], %swap3A_6 {strides = array<i32>} : memref<2x4096x64xf32, #tpu.memory_space<vmem>>, vector<1x4096x64xf32>,
    %slice3A_7 = vector.extract_strided_slice %get3A_1 {offsets = [0, 64], sizes = [4096, 64], strides = [1, 1]} : vector<4096x128xf32> to vector<4096x64xf32>
    %swap3A_8 = arith.constant 1 : index
    %swap3A_9 = arith.constant 0 : index
    %swap3A_10 = arith.constant 0 : index
    %swap3A_11 = vector.load %arg2[%swap3A_8, %swap3A_9, %swap3A_10] : memref<2x4096x64xf32, #tpu.memory_space<vmem>>, vector<1x4096x64xf32>
    %swap3A_12 = vector.shape_cast %swap3A_11 : vector<1x4096x64xf32> to vector<4096x64xf32>
    %swap3A_13 = vector.shape_cast %slice3A_7 : vector<4096x64xf32> to vector<1x4096x64xf32>
    tpu.vector_store %arg2[%swap3A_8, %swap3A_9, %swap3A_10], %swap3A_13 {strides = array<i32>} : memref<2x4096x64xf32, #tpu.memory_space<vmem>>, vector<1x4096x64xf32>,
    return
  }
  func.func @transform_0(%arg0: i32) -> (i32, i32) {
    %c0_i32 = arith.constant 0 : i32
    %c0_i32_0 = arith.constant 0 : i32
    return %arg0, %c0_i32 : i32, i32
  }
  func.func @transform_1(%arg0: i32) -> (i32, i32, i32) {
    %c0_i32 = arith.constant 0 : i32
    %c0_i32_0 = arith.constant 0 : i32
    %c0_i32_1 = arith.constant 0 : i32
    return %c0_i32, %arg0, %c0_i32_0 : i32, i32, i32
  }
}

</mosaic_0001>

<sc_bundles>
// kernel: kernel.5.cloned.1.call-start
scs
__scs_entry_jumppad:
0x0: {  	(pc) =	sbr.rel $0x88, $3  }
0x1: {  	(tag) =	ssettag $0x0;
	lr =	simm.s32 $0x1  }
0x2: {  	[smem:$0x3F9D] =	sst lr;
	_ =	strace $0xD0000000  }
0x3: {  	_ = 	snop  }
0x4: {  	_ = 	snop  }
0x5: {  	_ = 	snop  }
0x6: {  	_ = 	snop  }
0x7: {  	_ = 	snop  }
__scs_overlays_trampoline_lowered:
0x8: {  	[smem:$0x3FAC] =	sst s0  }
0x9: {  	[smem:$0x3FAD] =	sst s1  }
0xa: {  	[smem:$0x3FAE] =	sst s2  }
0xb: {  	[smem:$0x3FAF] =	sst s3  }
0xc: {  	[smem:$0x3FB0] =	sst s4  }
0xd: {  	[smem:$0x3FB1] =	sst s5  }
0xe: {  	[smem:$0x3FB2] =	sst s6  }
0xf: {  	[smem:$0x3FB3] =	sst s7  }
0x10: {  	[smem:$0x3FB4] =	sst s8  }
0x11: {  	[smem:$0x3FB5] =	sst s9;
	s0 =	simm.s32 @!p0 $0x0  }
0x12: {  	s1 =	sld [smem:$0x3F9B];
	s0 =	simm.s32 @p0 $0x1  }
0x13: {  	[smem:$0x3FB6] =	sst s0;
	s0 =	simm.s32 @!p1 $0x0  }
0x14: {  	s2 =	sld [smem:$0x3F9A];
	s0 =	simm.s32 @p1 $0x1  }
0x15: {  	[smem:$0x3FB7] =	sst s0;
	s0 =	simm.s32 @!p2 $0x0  }
0x16: {  	s3 =	sld [smem:$0x3FDB];
	s0 =	simm.s32 @p2 $0x1  }
0x17: {  	s4 =	simm.s32 $0x1BF5;
	[smem:$0x3FB9] =	sst s0  }
0x18: {  	s0 =	sld [smem:$0x3F9C];
	_ =	swait.ge [sflag:s4], $0x0  }
0x19: {  	s7 =	sld [smem:$0x3F9D]  }
0x1a: {  	s8 =	sadd.s32 $0xFFFFE003, lr  }
0x1b: {  	s9 =	sadd.s32 $0xFFFFFEF7, lr;
	s5 =	simm.s32 $0xFFFFFFFF;
	p2 =	slt.u32 s8, $0xFFFFF086  }
0x1c: {  	p1 =	slt.u32 s9, $0xF7A;
	s5 =	simm.s32 @!p2 $0x0  }
0x1d: {  	s5 =	simm.s32 @p1 $0x1;
	p0 =	seq.s32 s7, s2  }
0x1e: {  	s7 =	smul.u32 @!p0 $0xF7A, s2;
	p2 =	seq.s32 @!p0 s5, $0x0  }
0x1f: {  	s9 =	smul.u32 $0xF7A, s1;
	s8 =	simm.s32 @!p0 $0x1BF5;
	p2 =	por !p2, p0  }
0x20: {  	[sflag:s8] =	ssyncset.s32 @!p0 $0xFFFFF086;
	s6 =	sadd.s32 @!p0 s3, s7;
	s7 =	simm.s32 @!p0 $0x108  }
0x21: {  	s3 =	sadd.s32 s3, s9;
	s6 =	sadd.s32 @!p0 $0x88, s6;
	s7 =	simm.s32 @p2 $0x1082  }
0x22: {  	[simem:s7], [sflag:s8] =	dma.local @!p0 [hbm:s6], $0xF7A  }
0x23: {  	s9 =	sor.u32 $0xD0000000, s2;
	s6 =	simm.s32 $0x108;
	_ =	swait.ge @!p0 [sflag:s8], $0x0  }
0x24: {  	s3 =	sadd.s32 $0x88, s3;
	s6 =	simm.s32 @!p1 $0x1082;
	[sflag:s4] =	ssyncset.s32 $0xFFFFF086  }
0x25: {  	[simem:s6], [sflag:s4] =	dma.local [hbm:s3], $0xF7A  }
0x26: {  	[smem:$0x3F9D] =	sst s1;
	(tag) =	ssettag s2;
	_ =	strace s9  }
0x27: {  	s1 =	sld [smem:$0x3FAD]  }
0x28: {  	s2 =	sld [smem:$0x3FAE]  }
0x29: {  	s4 =	sld [smem:$0x3FB0]  }
0x2a: {  	p0 =	seq.s32 s5, $0x0;
	s5 =	sld [smem:$0x3FB1]  }
0x2b: {  	s6 =	sld [smem:$0x3FB2]  }
0x2c: {  	s7 =	sld [smem:$0x3FB3]  }
0x2d: {  	s3 =	simm.s32 $0x108;
	s8 =	sld [smem:$0x3FB4]  }
0x2e: {  	s3 =	simm.s32 @!p0 $0x1082;
	s9 =	sld [smem:$0x3FB5]  }
0x2f: {  	lr =	sadd.s32 s0, s3;
	s0 =	sld [smem:$0x3FAC]  }
0x30: {  	s3 =	sld [smem:$0x3FAF]  }
0x31: {  	[smem:$0x3FB8] =	sst s10  }
0x32: {  	s10 =	sld [smem:$0x3FB6];
	_ =	sdelay $0x3  }
0x33: {  	p0 =	seq.s32 s10, $0x1;
	s10 =	sld [smem:$0x3FB8];
	_ =	sdelay $0x3  }
0x34: {  	[smem:$0x3FB8] =	sst s10  }
0x35: {  	s10 =	sld [smem:$0x3FB7];
	_ =	sdelay $0x3  }
0x36: {  	p1 =	seq.s32 s10, $0x1;
	s10 =	sld [smem:$0x3FB8];
	_ =	sdelay $0x3  }
0x37: {  	[smem:$0x3FB8] =	sst s10  }
0x38: {  	s10 =	sld [smem:$0x3FB9]  }
0x39: {  	_ = 	snop;
	(pc) =	sbr.ind lr, $3  }
0x3a: {  	_ = 	snop  }
0x3b: {  	_ = 	snop  }
0x3c: {  	p2 =	seq.s32 s10, $0x1;
	s10 =	sld [smem:$0x3FB8]  }
0x3d: {  	_ =	shalt  }
0x3e: {  	_ =	shalt  }
0x3f: {  	_ =	shalt  }
0x40: {  	_ =	shalt  }
0x41: {  	_ =	shalt  }
0x42: {  	_ =	shalt  }
0x43: {  	_ =	shalt  }
0x44: {  	_ =	shalt  }
0x45: {  	_ =	shalt  }
0x46: {  	_ =	shalt  }
0x47: {  	_ =	shalt  }
0x48: {  	_ =	shalt  }
0x49: {  	_ =	shalt  }
0x4a: {  	_ =	shalt  }
0x4b: {  	_ =	shalt  }
0x4c: {  	_ =	shalt  }
0x4d: {  	_ =	shalt  }
0x4e: {  	_ =	shalt  }
0x4f: {  	_ =	shalt  }
0x50: {  	_ =	shalt  }
0x51: {  	_ =	shalt  }
0x52: {  	_ =	shalt  }
0x53: {  	_ =	shalt  }
0x54: {  	_ =	shalt  }
0x55: {  	_ =	shalt  }
0x56: {  	_ =	shalt  }
0x57: {  	_ =	shalt  }
0x58: {  	_ =	shalt  }
0x59: {  	_ =	shalt  }
0x5a: {  	_ =	shalt  }
0x5b: {  	_ =	shalt  }
0x5c: {  	_ =	shalt  }
0x5d: {  	_ =	shalt  }
0x5e: {  	_ =	shalt  }
0x5f: {  	_ =	shalt  }
0x60: {  	_ =	shalt  }
0x61: {  	_ =	shalt  }
0x62: {  	_ =	shalt  }
0x63: {  	_ =	shalt  }
0x64: {  	_ =	shalt  }
0x65: {  	_ =	shalt  }
0x66: {  	_ =	shalt  }
0x67: {  	_ =	shalt  }
0x68: {  	_ =	shalt  }
0x69: {  	_ =	shalt  }
0x6a: {  	_ =	shalt  }
0x6b: {  	_ =	shalt  }
0x6c: {  	_ =	shalt  }
0x6d: {  	_ =	shalt  }
0x6e: {  	_ =	shalt  }
0x6f: {  	_ =	shalt  }
0x70: {  	_ =	shalt  }
0x71: {  	_ =	shalt  }
0x72: {  	_ =	shalt  }
0x73: {  	_ =	shalt  }
0x74: {  	_ =	shalt  }
0x75: {  	_ =	shalt  }
0x76: {  	_ =	shalt  }
0x77: {  	_ =	shalt  }
0x78: {  	_ =	shalt  }
0x79: {  	_ =	shalt  }
0x7a: {  	_ =	shalt  }
0x7b: {  	_ =	shalt  }
0x7c: {  	_ =	shalt  }
0x7d: {  	_ =	shalt  }
0x7e: {  	_ =	shalt  }
0x7f: {  	_ =	shalt  }
0x80: {  	_ =	shalt  }
0x81: {  	_ =	shalt  }
0x82: {  	_ =	shalt  }
0x83: {  	_ =	shalt  }
0x84: {  	_ =	shalt  }
0x85: {  	_ =	shalt  }
0x86: {  	_ =	shalt  }
0x87: {  	_ =	shalt  }
.Lfunc_end0:
.L_simem_size_0:
called_computation.1_lowered:
.L_overlay_start_0:
0x88: {  	s2 =	sld [smem:$0x3FD9]  }
0x89: {  	s3 =	sld [smem:$0x3FFE];
	_ =	sdelay $0x1  }
0x8a: {  	s1 =	srdreg.scid  }
0x8b: {  	s0 =	sand.u32 $0x1, s1  }
0x8c: {  	s17 =	sshll.u32 s0, $0xA;
	s2 =	sadd.s32 s3, s2  }
0x8d: {  	s2 =	sadd.s32 s2, s17  }
0x8e: {  	[smem:$0x3FC4] =	sst s2  }
0x8f: {  	_ = 	snop  }
0x90: {  	s2 =	sld [smem:$0x3FD0];
	(tm) =	ssettm $0x1  }
0x91: {  	s18 =	sld [smem:$0x3FFB];
	_ =	sdelay $0x3  }
0x92: {  	_ =	strace s18  }
0x93: {  	s3 =	sld [smem:$0x3FFC];
	_ =	sdelay $0x3  }
0x94: {  	_ =	strace s3  }
0x95: {  	s3 =	sld [smem:$0x3FFD];
	_ =	sdelay $0x3  }
0x96: {  	_ =	strace s3  }
0x97: {  	_ =	strace $0x8FFFFFFF  }
0x98: {  	s19 =	sld [smem:$0x3FDB];
	_ =	sdelay $0x1  }
0x99: {  	s4 =	simm.s32 $_scs_section_size  }
0x9a: {  	s5 =	simm.s32 $_size__tile_overlayer_lowered;
	s6 =	simm.s32 $_tile_overlayer_lowered  }
0x9b: {  	s22 =	simm.s32 $0x1BFF;
	s21 =	sshll.u32 s6, $0x1;
	s3 =	sadd.s32 s4, s19  }
0x9c: {  	s7 =	simm.s32 $0x0;
	s20 =	sshll.u32 s5, $0x1;
	s5 =	sadd.s32 s21, s3  }
0x9d: {  	[timem:s7], [sflag:s22] =	dma.local [hbm:s5], s20  }
0x9e: {  	_ =	swait.ge [sflag:s22], s20  }
0x9f: {  	s4 =	ssub.s32 $0x0, s20;
	[sflag:s22] =	ssyncset.done $0x0  }
0xa0: {  	[sflag:s22] =	ssyncadd.s32 s4;
	_ =	sdelay $0x1  }
0xa1: {  	s23 =	simm.s32 $0x1B8B  }
0xa2: {  	_ =	swait.ge [sflag:s23], $0x1  }
0xa3: {  	[sflag:s23] =	ssyncset.done $0x0  }
0xa4: {  	s25 =	simm.s32 $0x1B8E;
	s24 =	sld [smem:$0x3FFE];
	[sflag:s23] =	ssyncadd.s32 $0xFFFFFFFF  }
0xa5: {  	s26 =	simm.s32 $execute0_lowered;
	[smem:$0x3FD2] =	sst s25  }
0xa6: {  	s5 =	sshll.u32 s26, $0x1;
	_ =	strace $0x80000046;
	[dreg:$0x1] =	wrdreg $0xFFFFFFFF  }
0xa7: {  	s28 =	simm.s32 $_size_execute0_lowered;
	s3 =	sadd.s32 s3, s5;
	[dreg:$0x0] =	wrdreg $0x0  }
0xa8: {  	s5 =	sshll.u32 s28, $0x1;
	[dreg:$0x2] =	wrdreg s3  }
0xa9: {  	[dreg:$0x3] =	wrdreg s5  }
0xaa: {  	[dreg:$0x4] =	wrdreg $0xC0  }
0xab: {  	_ =	task [dreg:s7], $0x5FFFF  }
0xac: {  	[dreg:$0x1] =	wrdreg $0xFFFFFFFF  }
0xad: {  	[dreg:$0x0] =	wrdreg $0x60  }
0xae: {  	[dreg:$0x2] =	wrdreg s24  }
0xaf: {  	[dreg:$0x3] =	wrdreg s2  }
0xb0: {  	[dreg:$0x4] =	wrdreg $0x9  }
0xb1: {  	_ =	task.clear_ibuf [dreg:s7], $0x5FFFF;
	_ =	strace $0x90000046  }
0xb2: {  	s29 =	simm.s32 $0x9;
	_ =	strace $0x80000048  }
0xb3: {  	_ =	swait.ge [sflag:s29], $0x1  }
0xb4: {  	[sflag:s29] =	ssyncadd.s32 $0xFFFFFFFF  }
0xb5: {  	_ =	strace $0x90000048  }
0xb6: {  	_ =	sfence  }
0xb7: {  	s30 =	sld [smem:$0x0];
	_ =	sdelay $0x2  }
0xb8: {  	s31 =	sshll.u32 s1, $0xD;
	s1 =	sshrl.u32 s1, $0x2  }
0xb9: {  	s3 =	sand.u32 $0x4000, s31;
	s1 =	sadd.s32 s1, s30  }
0xba: {  	s0 =	sor.u32 s3, s0;
	s1 =	sshll.u32 s1, $0x11  }
0xbb: {  	s0 =	sor.u32 s1, s0  }
0xbc: {  	s0 =	sadd.s32 $0x8F2B, s0  }
0xbd: {  	[sflag:s0] =	ssyncadd.remote.s32 $0x1  }
0xbe: {  	_ =	sfence.sel $0xFFFF  }
0xbf: {  	[dreg:$0x0] =	wrdreg $0xFFFFFFFF;
	(pc) =	sbr.abs _section_cstart, $3  }
0xc0: {  	[dreg:$0x1] =	wrdreg $0xFFFFFFFF  }
0xc1: {  	_ =	task.clear_ibuf [dreg:s7], $0x2FFFF;
	_ =	strace $0x9FFFFFFF  }
0xc2: {  	(tm) =	ssettm $0x7FFFFFFF  }
0xc3: {  	_ =	shalt  }
tec
execute0_lowered:
.L_overlay_start_1:
0x0: {  	(tag) =	ssettag $0x1  }
0x1: {  	s1 =	srdreg.scid;
	s5 =	rddreg [dreg:$0x0]  }
0x2: {  	s0 =	stileid.u32;
	s2 =	rddreg [dreg:$0x1]  }
0x3: {  	s13 =	simm.s32 $0x3;
	s14 =	simm.s32 $0x40;
	s15 =	simm.s32 $0x6400  }
0x4: {  	s16 =	simm.s32 $0x8400;
	s17 =	simm.s32 $0xA400;
	s18 =	simm.s32 $0xC400  }
0x5: {  	s19 =	simm.s32 $0x1;
	s1 =	sand.u32 $0x1, s1;
	s3 =	sshll.u32 s0, $0x1  }
0x6: {  	s20 =	simm.s32 $0x2;
	s21 =	simm.s32 $0x6380;
	s4 =	sor.u32 s1, s3  }
0x7: {  	s22 =	simm.s32 $0x63C0;
	s3 =	simm.s32 $0x0;
	s6 =	smul.u32 $0xC80, s4  }
0x8: {  	s1 =	ssub.s32 $0x2, s1;
	[smem:$0x7FF] =	sst s3;
	s4 =	smul.u32 $0x190000, s4  }
0x9: {  	s23 =	simm.s32 $0x0;
	s7 =	sshrl.u32 s1, $0x1;
	_ =	strace $0x80000047  }
0xa: {  	s1 =	ssub.s32 s1, s7;
	s7 =	sadd.s32 $0x8, s2;
	s8 =	sshrl.u32 s4, $0x3  }
0xb: {  	s6 =	sadd.s32 s6, s5;
	s5 =	sadd.s32 $0x1A200, s5;
	s11 =	sadd.s32 s2, s8  }
0xc: {  	s12 =	smax.u32 s1, $0x1;
	s6 =	sadd.s32 $0x1200, s6;
	s8 =	sadd.s32 $0x31800, s11  }
0xd: {  	s9 =	sadd.s32 $0x31808, s11;
	s10 =	sadd.s32 $0x31C00, s11;
	s11 =	sadd.s32 $0x31C08, s11  }
.LBB2_1:
0xe: {  	[tilespmem:s3], [sflag:$0x3] =	stream.linear.gather [hbm4b:s6+s3], $0x6400, $0x38;
	[tilespmem:$0xE400] =	vst v63  }
0xf: {  	_ =	swait.ge [sflag:s13], $0x6400  }
0x10: {  	[sflag:s13] =	ssyncset.done $0x0  }
0x11: {  	[sflag:s13] =	ssyncadd.s32 $0xFFFF9C00  }
0x12: {  	[tilespmem:s15], [sflag:$0x1] =	stream.indirect.gather [hbm4b:s5+s14], $0x80, s3, s14, $0xb8;
	[tilespmem:$0xE400] =	vst v63  }
0x13: {  	s24 =	simm.s32 $0x0  }
0x14: {  	[tilespmem:s16], [sflag:$0x1] =	stream.indirect.gather [hbm4b:s5+s14], $0x80, s14, s14, $0xb8;
	[tilespmem:$0xE400] =	vst v63  }
.LBB2_2:
0x15: {  	s25 =	sshllo.u32 s24, $0x1  }
0x16: {  	s1 =	sshll.u32 s25, $0x7  }
0x17: {  	s1 =	sand.u32 $0x3FFFFF80, s1  }
0x18: {  	[tilespmem:s17], [sflag:$0x2] =	stream.indirect.gather [hbm4b:s5+s14], $0x80, s1, s14, $0xb8;
	[tilespmem:$0xE400] =	vst v63  }
0x19: {  	s1 =	sor.u32 $0x40, s1  }
0x1a: {  	[tilespmem:s18], [sflag:$0x2] =	stream.indirect.gather [hbm4b:s5+s14], $0x80, s1, s14, $0xb8;
	[tilespmem:$0xE400] =	vst v63  }
0x1b: {  	_ =	swait.ge [sflag:s19], $0x2000  }
0x1c: {  	s26 =	sshll.u32 s24, $0xE;
	[sflag:s19] =	ssyncset.done $0x0  }
0x1d: {  	s1 =	sadd.s32 s4, s26;
	[sflag:s19] =	ssyncadd.s32 $0xFFFFE000  }
0x1e: {  	s29 =	simm.s32 $0x6400;
	s26 =	sshrl.u32 s1, $0x3;
	_ =	swait.ge [sflag:s19], $0x2000  }
0x1f: {  	s30 =	simm.s32 $0x10;
	s28 =	sadd.s32 s2, s26;
	[sflag:s19] =	ssyncset.done $0x0  }
0x20: {  	s31 =	simm.s32 $0x6480;
	s1 =	sadd.s32 $0x0, s28;
	[sflag:s19] =	ssyncadd.s32 $0xFFFFE000  }
.LBB2_3:
0x21: {  	[hbm4b:s1+s3] =	stream.linear.scatter [tilespmem:s29], [sflag:$0x3], $0x40, $0x38;
	[tilespmem:$0xE400] =	vst v63  }
0x22: {  	s1 =	smov.u32 s30;
	s29 =	smov.u32 s31;
	p0 =	sne.s32 s30, $0x3F0  }
.Ltmp0:
0x23: {  	s30 =	sadd.s32 $0x10, s30;
	(pc) =	sbr.rel @p0 .LBB2_3-.Ltmp0, $2  }
0x24: {  	_ =	sdelay $0x2  }
0x25: {  	s31 =	sadd.s32 $0x80, s31;
	s1 =	sadd.s32 s1, s28  }
0x26: {  	[hbm4b:s1+s3] =	stream.linear.scatter [tilespmem:s29], [sflag:$0x3], $0x40, $0x38;
	[tilespmem:$0xE400] =	vst v63  }
0x27: {  	s26 =	sadd.s32 s26, s7;
	_ =	swait.ge [sflag:s13], $0x1000  }
0x28: {  	s28 =	simm.s32 $0x8400;
	s29 =	simm.s32 $0x10;
	[sflag:s13] =	ssyncset.done $0x0  }
0x29: {  	s30 =	simm.s32 $0x8480;
	s1 =	sadd.s32 $0x0, s26;
	[sflag:s13] =	ssyncadd.s32 $0xFFFFF000  }
.LBB2_5:
0x2a: {  	[hbm4b:s1+s3] =	stream.linear.scatter [tilespmem:s28], [sflag:$0x3], $0x40, $0x38;
	[tilespmem:$0xE400] =	vst v63  }
0x2b: {  	s1 =	smov.u32 s29;
	s28 =	smov.u32 s30;
	p0 =	sne.s32 s29, $0x3F0  }
.Ltmp1:
0x2c: {  	s29 =	sadd.s32 $0x10, s29;
	(pc) =	sbr.rel @p0 .LBB2_5-.Ltmp1, $2  }
0x2d: {  	_ =	sdelay $0x2  }
0x2e: {  	s30 =	sadd.s32 $0x80, s30;
	s1 =	sadd.s32 s1, s26  }
0x2f: {  	[hbm4b:s1+s3] =	stream.linear.scatter [tilespmem:s28], [sflag:$0x3], $0x40, $0x38;
	[tilespmem:$0xE400] =	vst v63  }
0x30: {  	s26 =	sshll.u32 s24, $0x8;
	_ =	swait.ge [sflag:s13], $0x1000  }
0x31: {  	s1 =	sand.u32 $0x3FFFFF00, s26;
	[sflag:s13] =	ssyncset.done $0x0  }
0x32: {  	s26 =	sadd.s32 $0x100, s1;
	[sflag:s13] =	ssyncadd.s32 $0xFFFFF000  }
0x33: {  	[tilespmem:s15], [sflag:$0x1] =	stream.indirect.gather [hbm4b:s5+s14], $0x80, s26, s14, $0xb8;
	[tilespmem:$0xE400] =	vst v63  }
0x34: {  	s1 =	sadd.s32 $0x140, s1  }
0x35: {  	[tilespmem:s16], [sflag:$0x1] =	stream.indirect.gather [hbm4b:s5+s14], $0x80, s1, s14, $0xb8;
	[tilespmem:$0xE400] =	vst v63  }
0x36: {  	_ =	swait.ge [sflag:s20], $0x2000  }
0x37: {  	s31 =	sshll.u32 s25, $0xD;
	[sflag:s20] =	ssyncset.done $0x0  }
0x38: {  	s1 =	sadd.s32 s4, s31;
	[sflag:s20] =	ssyncadd.s32 $0xFFFFE000  }
0x39: {  	s28 =	simm.s32 $0xA400;
	s25 =	sshrl.u32 s1, $0x3;
	_ =	swait.ge [sflag:s20], $0x2000  }
0x3a: {  	s29 =	simm.s32 $0x10;
	s26 =	sadd.s32 s2, s25;
	[sflag:s20] =	ssyncset.done $0x0  }
0x3b: {  	s30 =	simm.s32 $0xA480;
	s1 =	sadd.s32 $0x0, s26;
	[sflag:s20] =	ssyncadd.s32 $0xFFFFE000  }
.LBB2_7:
0x3c: {  	[hbm4b:s1+s3] =	stream.linear.scatter [tilespmem:s28], [sflag:$0x3], $0x40, $0x38;
	[tilespmem:$0xE400] =	vst v63  }
0x3d: {  	s1 =	smov.u32 s29;
	s28 =	smov.u32 s30;
	p0 =	sne.s32 s29, $0x3F0  }
.Ltmp2:
0x3e: {  	s29 =	sadd.s32 $0x10, s29;
	(pc) =	sbr.rel @p0 .LBB2_7-.Ltmp2, $2  }
0x3f: {  	_ =	sdelay $0x2  }
0x40: {  	s30 =	sadd.s32 $0x80, s30;
	s1 =	sadd.s32 s1, s26  }
0x41: {  	[hbm4b:s1+s3] =	stream.linear.scatter [tilespmem:s28], [sflag:$0x3], $0x40, $0x38;
	[tilespmem:$0xE400] =	vst v63  }
0x42: {  	s25 =	sadd.s32 s25, s7;
	_ =	swait.ge [sflag:s13], $0x1000  }
0x43: {  	s26 =	simm.s32 $0xC400;
	s28 =	simm.s32 $0x10;
	[sflag:s13] =	ssyncset.done $0x0  }
0x44: {  	s29 =	simm.s32 $0xC480;
	s1 =	sadd.s32 $0x0, s25;
	[sflag:s13] =	ssyncadd.s32 $0xFFFFF000  }
.LBB2_9:
0x45: {  	[hbm4b:s1+s3] =	stream.linear.scatter [tilespmem:s26], [sflag:$0x3], $0x40, $0x38;
	[tilespmem:$0xE400] =	vst v63  }
0x46: {  	s1 =	smov.u32 s28;
	s26 =	smov.u32 s29;
	p0 =	sne.s32 s28, $0x3F0  }
.Ltmp3:
0x47: {  	s28 =	sadd.s32 $0x10, s28;
	(pc) =	sbr.rel @p0 .LBB2_9-.Ltmp3, $2  }
0x48: {  	_ =	sdelay $0x2  }
0x49: {  	s29 =	sadd.s32 $0x80, s29;
	s1 =	sadd.s32 s1, s25  }
0x4a: {  	s24 =	sadd.s32 $0x1, s24  }
0x4b: {  	p0 =	sne.s32 s24, $0x63  }
.Ltmp4:
0x4c: {  	_ = 	snop;
	(pc) =	sbr.rel @p0 .LBB2_2-.Ltmp4, $4  }
0x4d: {  	[hbm4b:s1+s3] =	stream.linear.scatter [tilespmem:s26], [sflag:$0x3], $0x40, $0x38;
	[tilespmem:$0xE400] =	vst v63  }
0x4e: {  	_ =	swait.ge [sflag:s13], $0x1000  }
0x4f: {  	[sflag:s13] =	ssyncset.done $0x0  }
0x50: {  	[sflag:s13] =	ssyncadd.s32 $0xFFFFF000  }
0x51: {  	[tilespmem:s17], [sflag:$0x2] =	stream.indirect.gather [hbm4b:s5+s14], $0x80, s21, s14, $0xb8;
	[tilespmem:$0xE400] =	vst v63  }
0x52: {  	_ = 	snop  }
0x53: {  	[tilespmem:s18], [sflag:$0x2] =	stream.indirect.gather [hbm4b:s5+s14], $0x80, s22, s14, $0xb8;
	[tilespmem:$0xE400] =	vst v63  }
0x54: {  	_ =	swait.ge [sflag:s19], $0x2000  }
0x55: {  	[sflag:s19] =	ssyncset.done $0x0  }
0x56: {  	[sflag:s19] =	ssyncadd.s32 $0xFFFFE000  }
0x57: {  	_ =	swait.ge [sflag:s19], $0x2000  }
0x58: {  	s24 =	simm.s32 $0x6400;
	s25 =	simm.s32 $0x10;
	[sflag:s19] =	ssyncset.done $0x0  }
0x59: {  	s1 =	sadd.s32 $0x0, s8;
	s26 =	simm.s32 $0x6480;
	[sflag:s19] =	ssyncadd.s32 $0xFFFFE000  }
.LBB2_12:
0x5a: {  	[hbm4b:s1+s3] =	stream.linear.scatter [tilespmem:s24], [sflag:$0x3], $0x40, $0x38;
	[tilespmem:$0xE400] =	vst v63  }
0x5b: {  	s1 =	smov.u32 s25;
	s24 =	smov.u32 s26;
	p0 =	sne.s32 s25, $0x3F0  }
.Ltmp5:
0x5c: {  	s25 =	sadd.s32 $0x10, s25;
	(pc) =	sbr.rel @p0 .LBB2_12-.Ltmp5, $2  }
0x5d: {  	_ =	sdelay $0x2  }
0x5e: {  	s26 =	sadd.s32 $0x80, s26;
	s1 =	sadd.s32 s1, s8  }
0x5f: {  	[hbm4b:s1+s3] =	stream.linear.scatter [tilespmem:s24], [sflag:$0x3], $0x40, $0x38;
	[tilespmem:$0xE400] =	vst v63  }
0x60: {  	_ =	swait.ge [sflag:s13], $0x1000  }
0x61: {  	s24 =	simm.s32 $0x8400;
	s25 =	simm.s32 $0x10;
	[sflag:s13] =	ssyncset.done $0x0  }
0x62: {  	s1 =	sadd.s32 $0x0, s9;
	s26 =	simm.s32 $0x8480;
	[sflag:s13] =	ssyncadd.s32 $0xFFFFF000  }
.LBB2_14:
0x63: {  	[hbm4b:s1+s3] =	stream.linear.scatter [tilespmem:s24], [sflag:$0x3], $0x40, $0x38;
	[tilespmem:$0xE400] =	vst v63  }
0x64: {  	s1 =	smov.u32 s25;
	s24 =	smov.u32 s26;
	p0 =	sne.s32 s25, $0x3F0  }
.Ltmp6:
0x65: {  	s25 =	sadd.s32 $0x10, s25;
	(pc) =	sbr.rel @p0 .LBB2_14-.Ltmp6, $2  }
0x66: {  	_ =	sdelay $0x2  }
0x67: {  	s26 =	sadd.s32 $0x80, s26;
	s1 =	sadd.s32 s1, s9  }
0x68: {  	[hbm4b:s1+s3] =	stream.linear.scatter [tilespmem:s24], [sflag:$0x3], $0x40, $0x38;
	[tilespmem:$0xE400] =	vst v63  }
0x69: {  	_ =	swait.ge [sflag:s13], $0x1000  }
0x6a: {  	[sflag:s13] =	ssyncset.done $0x0  }
0x6b: {  	[sflag:s13] =	ssyncadd.s32 $0xFFFFF000  }
0x6c: {  	_ =	swait.ge [sflag:s20], $0x2000  }
0x6d: {  	[sflag:s20] =	ssyncset.done $0x0  }
0x6e: {  	[sflag:s20] =	ssyncadd.s32 $0xFFFFE000  }
0x6f: {  	_ =	swait.ge [sflag:s20], $0x2000  }
0x70: {  	s24 =	simm.s32 $0xA400;
	s25 =	simm.s32 $0x10;
	[sflag:s20] =	ssyncset.done $0x0  }
0x71: {  	s1 =	sadd.s32 $0x0, s10;
	s26 =	simm.s32 $0xA480;
	[sflag:s20] =	ssyncadd.s32 $0xFFFFE000  }
.LBB2_16:
0x72: {  	[hbm4b:s1+s3] =	stream.linear.scatter [tilespmem:s24], [sflag:$0x3], $0x40, $0x38;
	[tilespmem:$0xE400] =	vst v63  }
0x73: {  	s1 =	smov.u32 s25;
	s24 =	smov.u32 s26;
	p0 =	sne.s32 s25, $0x3F0  }
.Ltmp7:
0x74: {  	s25 =	sadd.s32 $0x10, s25;
	(pc) =	sbr.rel @p0 .LBB2_16-.Ltmp7, $2  }
0x75: {  	_ =	sdelay $0x2  }
0x76: {  	s26 =	sadd.s32 $0x80, s26;
	s1 =	sadd.s32 s1, s10  }
0x77: {  	[hbm4b:s1+s3] =	stream.linear.scatter [tilespmem:s24], [sflag:$0x3], $0x40, $0x38;
	[tilespmem:$0xE400] =	vst v63  }
0x78: {  	_ =	swait.ge [sflag:s13], $0x1000  }
0x79: {  	s24 =	simm.s32 $0xC400;
	s25 =	simm.s32 $0x10;
	[sflag:s13] =	ssyncset.done $0x0  }
0x7a: {  	s1 =	sadd.s32 $0x0, s11;
	s26 =	simm.s32 $0xC480;
	[sflag:s13] =	ssyncadd.s32 $0xFFFFF000  }
.LBB2_18:
0x7b: {  	[hbm4b:s1+s3] =	stream.linear.scatter [tilespmem:s24], [sflag:$0x3], $0x40, $0x38;
	[tilespmem:$0xE400] =	vst v63  }
0x7c: {  	s1 =	smov.u32 s25;
	s24 =	smov.u32 s26;
	p0 =	sne.s32 s25, $0x3F0  }
.Ltmp8:
0x7d: {  	s25 =	sadd.s32 $0x10, s25;
	(pc) =	sbr.rel @p0 .LBB2_18-.Ltmp8, $2  }
0x7e: {  	_ =	sdelay $0x2  }
0x7f: {  	s26 =	sadd.s32 $0x80, s26;
	s1 =	sadd.s32 s1, s11  }
0x80: {  	s23 =	sadd.s32 $0x1, s23  }
0x81: {  	p0 =	sne.s32 s23, s12  }
.Ltmp9:
0x82: {  	_ = 	snop;
	(pc) =	sbr.rel @p0 .LBB2_1-.Ltmp9, $4  }
0x83: {  	[hbm4b:s1+s3] =	stream.linear.scatter [tilespmem:s24], [sflag:$0x3], $0x40, $0x38;
	[tilespmem:$0xE400] =	vst v63  }
0x84: {  	_ =	swait.ge [sflag:s13], $0x1000  }
0x85: {  	[sflag:s13] =	ssyncset.done $0x0  }
0x86: {  	[sflag:s13] =	ssyncadd.s32 $0xFFFFF000  }
0x87: {  	_ =	sfence.sel $0x180000  }
0x88: {  	[bflag:$0x0] =	sbarrier.arrive $0xFFFF  }
0x89: {  	_ =	strace $0x90000047  }
0x8a: {  	[bflag:$0x2] =	sbarrier.arrive $0xFFFF  }
0x8b: {  	p0 =	sne.s32 s0, $0x0;
	s0 =	rddreg [dreg:$0x2]  }
0x8c: {  	s0 =	sadd.s32 @!p0 $0x100000, s0  }
0x8d: {  	[sflag:s0] =	ssyncadd.tile.s32 @!p0 $0x1;
	_ =	shalt  }
.Lfunc_end2:
_tile_overlayer_lowered:
.L_overlay_start_2:
0x8e: {  	(tag) =	ssettag $0x2  }
0x8f: {  	s0 =	rddreg [dreg:$0x0];
	s2 =	stileid.u32  }
0x90: {  	s1 =	rddreg [dreg:$0x1];
	p0 =	sne.s32 s2, $0x0  }
0x91: {  	s3 =	rddreg [dreg:$0x2];
	[bflag:$0x3] =	sbarrier.arrive $0xFFFF;
	s2 =	simm.s32 @!p0 $0x1C03  }
0x92: {  	[timem:s3], [sflag:s2] =	dma.local @!p0 [hbm:s0], s1  }
0x93: {  	s0 =	simm.s32 @!p0 $0x3  }
0x94: {  	_ =	swait.ge @!p0 [sflag:s0], s1  }
0x95: {  	s1 =	ssub.s32 @!p0 $0x0, s1;
	[sflag:s0] =	ssyncset.done @!p0 $0x0  }
0x96: {  	[sflag:s0] =	ssyncadd.s32 @!p0 s1  }
0x97: {  	[bflag:$0x3] =	sbarrier.arrive $0xFFFF  }
0x98: {  	_ =	shalt  }

// kernel: sparse-core-data-format-call.cloned.1.call-start
scs
called_computation_lowered:
.L_overlay_start_0:
0x0: {  	s2 =	sld [smem:$0x3FD9]  }
0x1: {  	s3 =	sld [smem:$0x3FFE];
	_ =	sdelay $0x1  }
0x2: {  	s1 =	srdreg.scid  }
0x3: {  	s0 =	sand.u32 $0x1, s1  }
0x4: {  	s18 =	sshll.u32 s0, $0xA;
	s2 =	sadd.s32 s3, s2  }
0x5: {  	s2 =	sadd.s32 s2, s18  }
0x6: {  	[smem:$0x3FC4] =	sst s2  }
0x7: {  	_ = 	snop  }
0x8: {  	s2 =	sld [smem:$0x3FD0];
	(tm) =	ssettm $0x1  }
0x9: {  	s19 =	sld [smem:$0x3FFB];
	_ =	sdelay $0x3  }
0xa: {  	_ =	strace s19  }
0xb: {  	s3 =	sld [smem:$0x3FFC];
	_ =	sdelay $0x3  }
0xc: {  	_ =	strace s3  }
0xd: {  	s3 =	sld [smem:$0x3FFD];
	_ =	sdelay $0x3  }
0xe: {  	_ =	strace s3  }
0xf: {  	_ =	strace $0x8FFFFFFF  }
0x10: {  	s20 =	sld [smem:$0x3FDB];
	_ =	sdelay $0x1  }
0x11: {  	s4 =	simm.s32 $_scs_section_size  }
0x12: {  	s5 =	simm.s32 $_size__tile_overlayer_lowered;
	s6 =	simm.s32 $_tile_overlayer_lowered  }
0x13: {  	s23 =	simm.s32 $0x1BFF;
	s22 =	sshll.u32 s6, $0x1;
	s3 =	sadd.s32 s4, s20  }
0x14: {  	s7 =	simm.s32 $0x0;
	s21 =	sshll.u32 s5, $0x1;
	s5 =	sadd.s32 s22, s3  }
0x15: {  	[timem:s7], [sflag:s23] =	dma.local [hbm:s5], s21  }
0x16: {  	_ =	swait.ge [sflag:s23], s21  }
0x17: {  	s4 =	ssub.s32 $0x0, s21;
	[sflag:s23] =	ssyncset.done $0x0  }
0x18: {  	[sflag:s23] =	ssyncadd.s32 s4;
	_ =	sdelay $0x1  }
0x19: {  	s24 =	simm.s32 $0x1B8B  }
0x1a: {  	_ =	swait.ge [sflag:s24], $0x1  }
0x1b: {  	[sflag:s24] =	ssyncset.done $0x0  }
0x1c: {  	s26 =	simm.s32 $0x1B8E;
	s25 =	sld [smem:$0x3FFE];
	[sflag:s24] =	ssyncadd.s32 $0xFFFFFFFF  }
0x1d: {  	s27 =	simm.s32 $execute0_lowered;
	[smem:$0x3FD2] =	sst s26  }
0x1e: {  	s5 =	sshll.u32 s27, $0x1;
	_ =	strace $0x80000049;
	[dreg:$0x1] =	wrdreg $0xFFFFFFFF  }
0x1f: {  	s28 =	simm.s32 $_size_execute0_lowered;
	s3 =	sadd.s32 s3, s5;
	[dreg:$0x0] =	wrdreg $0x0  }
0x20: {  	s5 =	sshll.u32 s28, $0x1;
	[dreg:$0x2] =	wrdreg s3  }
0x21: {  	[dreg:$0x3] =	wrdreg s5  }
0x22: {  	[dreg:$0x4] =	wrdreg $0xC0  }
0x23: {  	_ =	task [dreg:s7], $0x5FFFF  }
0x24: {  	[dreg:$0x1] =	wrdreg $0xFFFFFFFF  }
0x25: {  	[dreg:$0x0] =	wrdreg $0x60  }
0x26: {  	[dreg:$0x2] =	wrdreg s25  }
0x27: {  	[dreg:$0x3] =	wrdreg s2  }
0x28: {  	[dreg:$0x4] =	wrdreg $0x9  }
0x29: {  	_ =	task.clear_ibuf [dreg:s7], $0x5FFFF;
	_ =	strace $0x90000049  }
0x2a: {  	s29 =	simm.s32 $0x9;
	_ =	strace $0x8000004B  }
0x2b: {  	_ =	swait.ge [sflag:s29], $0x1  }
0x2c: {  	[sflag:s29] =	ssyncadd.s32 $0xFFFFFFFF  }
0x2d: {  	_ =	strace $0x9000004B  }
0x2e: {  	_ =	sfence  }
0x2f: {  	s30 =	sld [smem:$0x0];
	_ =	sdelay $0x2  }
0x30: {  	s31 =	sshll.u32 s1, $0xD;
	s1 =	sshrl.u32 s1, $0x2  }
0x31: {  	s3 =	sand.u32 $0x4000, s31;
	s1 =	sadd.s32 s1, s30  }
0x32: {  	s0 =	sor.u32 s3, s0;
	s1 =	sshll.u32 s1, $0x11  }
0x33: {  	s0 =	sor.u32 s1, s0  }
0x34: {  	s0 =	sadd.s32 $0x8F2B, s0  }
0x35: {  	[sflag:s0] =	ssyncadd.remote.s32 $0x1  }
0x36: {  	_ =	sfence.sel $0xFFFF  }
0x37: {  	[dreg:$0x0] =	wrdreg $0xFFFFFFFF;
	(pc) =	sbr.abs _section_cstart, $3  }
0x38: {  	[dreg:$0x1] =	wrdreg $0xFFFFFFFF  }
0x39: {  	_ =	task.clear_ibuf [dreg:s7], $0x2FFFF;
	_ =	strace $0x9FFFFFFF  }
0x3a: {  	(tm) =	ssettm $0x7FFFFFFF  }
0x3b: {  	_ =	shalt  }
tec
execute0_lowered:
.L_overlay_start_1:
0x0: {  	(tag) =	ssettag $0x1  }
0x1: {  	s0 =	srdreg.scid  }
0x2: {  	s1 =	sshll.u32 s0, $0x4  }
0x3: {  	s0 =	stileid.u32;
	s1 =	sand.u32 $0x10, s1  }
0x4: {  	s1 =	sor.u32 s0, s1  }
0x5: {  	s6 =	rddreg [dreg:$0x0];
	s4 =	simm.s32 $0x1;
	s2 =	sshll.u32 s1, $0x7  }
0x6: {  	s7 =	simm.s32 $0x2;
	s12 =	simm.s32 $0x0;
	s1 =	ssub.s32 $0x1000, s2  }
0x7: {  	s8 =	simm.s32 $0x8000;
	s13 =	simm.s32 $0x0;
	s3 =	sand.u32 $0xF80, s1  }
0x8: {  	s9 =	simm.s32 $0x0;
	s5 =	sshrl.u32 s1, $0xC;
	p0 =	sne.s32 s3, $0x0  }
.Ltmp0:
0x9: {  	s1 =	rddreg [dreg:$0x2];
	s4 =	simm.s32 @!p0 $0x0;
	(pc) =	sbr.rel .LBB1_1-.Ltmp0, $4  }
0xa: {  	s11 =	simm.s32 $0x0;
	s3 =	rddreg [dreg:$0x1];
	s5 =	sadd.s32 s4, s5  }
0xb: {  	_ =	strace $0x8000004A;
	s4 =	simm.s32 $0x1;
	s5 =	smul.u32 $0xC8, s5  }
0xc: {  	s6 =	sadd.s32 $0x1200, s6;
	s10 =	smov.u32 s2;
	[sflag:s4] =	ssyncpa.u1 $0x0  }
0xd: {  	p0 =	por $0x0, $0x0;
	[sflag:s7] =	ssyncpa.u1 $0x0;
	s7 =	sor.u32 $0x1, s5  }
.LBB1_4:
0xe: {  	s16 =	sshll.u32 s13, $0x3;
	s17 =	sand.u32 $0x78, s13  }
0xf: {  	s30 =	sand.u32 $0x7E00, s13;
	s12 =	sshll.u32 s12, $0xF;
	s16 =	sand.u32 $0xC00, s16  }
0x10: {  	[tilespmem:s15+$0x810 ss:$0x81] =	vst.msk $0xffff, v2;
	s31 =	sand.u32 $0x7, s13;
	s16 =	sor.u32 s17, s16;
	s17 =	sadd.s32 s3, s30  }
0x11: {  	[tilespmem:s15+$0x1020 ss:$0x81] =	vst.msk $0xffff, v0;
	s13 =	sshll.u32 s31, $0x12;
	s12 =	sadd.s32 s12, s17;
	s16 =	sshrl.u32 s16, $0x3  }
0x12: {  	[tilespmem:s15+$0x0 ss:$0x81] =	vst.msk $0xffff, v1;
	s13 =	sor.u32 $0x400, s13;
	s12 =	sadd.s32 s16, s12  }
0x13: {  	[hbm4b:s12+s13] =	stream.strided.scatter [tilespmem:s14], [sflag:$0x2], $0x2000, s8, s13, $0x20;
	[tilespmem:$0x8080] =	vst v63  }
.LBB1_5:
0x14: {  	s14 =	sadd.s32 $0x1, s9  }
0x15: {  	s12 =	sadd.s32 $0x1000, s10;
	s16 =	smov.u32 s10;
	p2 =	sgt.s32 s14, $0xC7  }
0x16: {  	s16 =	smov.u32 @p2 s12  }
0x17: {  	s14 =	simm.s32 @p2 $0x0;
	p2 =	sgt.s32 s16, $0xFFF  }
0x18: {  	s16 =	smov.u32 @p2 s2;
	p2 =	sne.s32 s11, s7  }
.Ltmp1:
0x19: {  	p1 =	slt.u32 s11, $0x2;
	(pc) =	sbr.rel @!p2 .LBB1_6-.Ltmp1, $4  }
0x1a: {  	s15 =	simm.s32 @!p1 $0x2  }
0x1b: {  	s13 =	smov.u32 s10;
	p0 =	por !p0, !p0;
	_ =	swait.ge @!p1 [sflag:s15], $0x2000  }
0x1c: {  	s12 =	smov.u32 s9;
	[sflag:s15] =	ssyncset.done @!p1 $0x0;
	s9 =	smov.u32 s14  }
0x1d: {  	s11 =	sadd.s32 $0x1, s11;
	[sflag:s15] =	ssyncadd.s32 @!p1 $0xFFFFE000;
	s10 =	smov.u32 s16  }
.LBB1_1:
0x1e: {  	p1 =	sge.u32 s11, s5  }
0x1f: {  	s14 =	sand.u32 @!p1 $0x1FFFFFF, s9  }
0x20: {  	s15 =	smulhi.u32 @!p1 $0x147AE15, s14;
	_ =	sdelay $0x1  }
0x21: {  	s15 =	smul.u32 @!p1 $0xC8, s15  }
0x22: {  	s16 =	sxor.u32 @!p1 $0xFFFFFFFF, s11;
	s17 =	smul.u32 @!p1 $0xC80, s10  }
0x23: {  	s31 =	sadd.s32 $0xFFFFFFFF, s11;
	s16 =	sshll.u32 @!p1 s16, $0xD;
	s14 =	ssub.s32 @!p1 s14, s15  }
0x24: {  	s15 =	sand.u32 @!p1 $0x2000, s16;
	s16 =	sadd.s32 @!p1 s6, s17;
	s14 =	sshll.u32 @!p1 s14, $0x4  }
0x25: {  	s17 =	simm.s32 @!p1 $0x6400;
	s14 =	sadd.s32 @!p1 s14, s16;
	s16 =	simm.s32 @!p1 $0x40  }
0x26: {  	[tilespmem:s15], [sflag:$0x1] =	stream.strided.gather @!p1 [hbm4b:s14+s16], $0x2000, s17, s16, $0x38;
	[tilespmem:$0x8080] =	vst v63  }
0x27: {  	p1 =	sge.u32 s31, s5  }
.Ltmp2:
0x28: {  	_ = 	snop;
	(pc) =	sbr.rel @p1 .LBB1_5-.Ltmp2, $1  }
0x29: {  	_ =	sdelay $0x3  }
0x2a: {  	s14 =	simm.s32 $0x1  }
0x2b: {  	_ =	swait.ge [sflag:s4], $0x2000;
	s14 =	simm.s32 @!p0 $0x0  }
0x2c: {  	[sflag:s4] =	ssyncset.done $0x0;
	s15 =	sshll.u32 s14, $0xD  }
0x2d: {  	[sflag:s4] =	ssyncadd.s32 $0xFFFFE000;
	s18 =	sor.u32 $0x20, s15  }
0x2e: {  	s14 =	smul.u32 $0x8100, s14;
	v3 =	vld [tilespmem:s18+$0x10]  }
0x2f: {  	s30 =	sand.u32 $0x1, s11;
	v2 =	vld [tilespmem:s18+$0xFFFFFFF0]  }
0x30: {  	s15 =	smul.u32 $0x8100, s30;
	s14 =	sshrl.u32 s14, $0x2;
	v0 =	vld [tilespmem:s18+$0x0]  }
0x31: {  	v1 =	vld [tilespmem:s18+$0xFFFFFFE0];
	s16 =	sor.u32 $0x4000, s14  }
0x32: {  	s31 =	sshrl.u32 s15, $0x2;
	s15 =	sadd.s32 $0x0, s16  }
0x33: {  	s17 =	simm.s32 $0x4;
	s18 =	sadd.s32 $0x40, s18;
	s14 =	sor.u32 $0x4000, s31;
	[tilespmem:s15+$0x1830 ss:$0x81] =	vst.msk $0xffff, v3  }
.LBB1_3:
0x34: {  	v3 =	vld [tilespmem:s18+$0x10];
	p1 =	sne.s32 s17, $0x1FC;
	[tilespmem:s15+$0x810 ss:$0x81] =	vst.msk $0xffff, v2;
	s19 =	smov.u32 s17;
	s17 =	sadd.s32 $0x4, s17  }
.Ltmp3:
0x35: {  	v2 =	vld [tilespmem:s18+$0xFFFFFFF0];
	[tilespmem:s15+$0x1020 ss:$0x81] =	vst.msk $0xffff, v0;
	(pc) =	sbr.rel @p1 .LBB1_3-.Ltmp3, $4  }
0x36: {  	v0 =	vld [tilespmem:s18+$0x0];
	[tilespmem:s15+$0x0 ss:$0x81] =	vst.msk $0xffff, v1  }
0x37: {  	s15 =	sshra.s32 s19, $0x2;
	v1 =	vld [tilespmem:s18+$0xFFFFFFE0]  }
0x38: {  	s15 =	sadd.s32 s15, s16  }
0x39: {  	s18 =	sadd.s32 $0x40, s18;
	[tilespmem:s15+$0x1830 ss:$0x81] =	vst.msk $0xffff, v3  }
.Ltmp4:
0x3a: {  	_ = 	snop;
	(pc) =	sbr.rel .LBB1_4-.Ltmp4, $1  }
0x3b: {  	_ =	sdelay $0x3  }
.LBB1_6:
0x3c: {  	_ =	sfence.sel $0x180000  }
0x3d: {  	s2 =	simm.s32 $0x1;
	[bflag:$0x0] =	sbarrier.arrive $0xFFFF  }
0x3e: {  	s31 =	simm.s32 $0x2;
	[sflag:s2] =	ssyncpa.u1 $0x1  }
0x3f: {  	[sflag:s31] =	ssyncpa.u1 $0x1  }
0x40: {  	p0 =	sne.s32 s0, $0x0;
	_ =	strace $0x9000004A  }
0x41: {  	s0 =	sadd.s32 @!p0 $0x100000, s1;
	[bflag:$0x2] =	sbarrier.arrive $0xFFFF  }
0x42: {  	[sflag:s0] =	ssyncadd.tile.s32 @!p0 $0x1;
	_ =	shalt  }
.Lfunc_end1:
_tile_overlayer_lowered:
.L_overlay_start_2:
0x43: {  	(tag) =	ssettag $0x2  }
0x44: {  	s0 =	rddreg [dreg:$0x0];
	s2 =	stileid.u32  }
0x45: {  	s1 =	rddreg [dreg:$0x1];
	p0 =	sne.s32 s2, $0x0  }
0x46: {  	s3 =	rddreg [dreg:$0x2];
	[bflag:$0x3] =	sbarrier.arrive $0xFFFF;
	s2 =	simm.s32 @!p0 $0x1C01  }
0x47: {  	[timem:s3], [sflag:s2] =	dma.local @!p0 [hbm:s0], s1  }
0x48: {  	s0 =	simm.s32 @!p0 $0x1  }
0x49: {  	_ =	swait.ge @!p0 [sflag:s0], s1  }
0x4a: {  	s1 =	ssub.s32 @!p0 $0x0, s1;
	[sflag:s0] =	ssyncset.done @!p0 $0x0  }
0x4b: {  	[sflag:s0] =	ssyncadd.s32 @!p0 s1  }
0x4c: {  	[bflag:$0x3] =	sbarrier.arrive $0xFFFF  }
0x4d: {  	_ =	shalt  }

</sc_bundles>
